<compile_context>
chip_gen: v7x
topology: tpu7x:2x2x1
jax: 0.10.2.dev20260603
libtpu: 0.0.44.dev20260713+nightly
codegen_flags: <defaults>
</compile_context>

<pallas_src>
import functools

import jax
import jax.numpy as jnp
from jax import lax
from jax.experimental import pallas as pl
from jax.experimental.pallas import tpu as pltpu
from jax.experimental.pallas import tpu_sc as plsc

THRESHOLD = 0.95
NUM_CLASSES = 1000
N = 1048576

L = 16
NC = 2
NS = 16
NW = NC * NS
PER_W = N // NW
CPAD = 1024
NCH = 4
CHUNK = PER_W // NCH


def _make_kernel():
  mesh = plsc.VectorSubcoreMesh(
      core_axis_name="c", subcore_axis_name="s",
      num_cores=NC, num_subcores=NS)

  @functools.partial(
      pl.kernel,
      mesh=mesh,
      out_type=jax.ShapeDtypeStruct((N,), jnp.float32),
      compiler_params=pltpu.CompilerParams(
          needs_layout_passes=False, disable_bounds_checks=True),
      scratch_types=[
          pltpu.VMEM((CPAD,), jnp.float32),
          pltpu.VMEM((CPAD,), jnp.float32),
          pltpu.VMEM((2, CHUNK), jnp.int32),
          pltpu.VMEM((2, CHUNK), jnp.float32),
          pltpu.VMEM((PER_W,), jnp.float32),
          pltpu.SemaphoreType.DMA,
          pltpu.SemaphoreType.DMA,
          pltpu.SemaphoreType.DMA,
          pltpu.SemaphoreType.DMA,
      ],
  )
  def body(conf_hbm, lab_hbm, acc_hbm, out_hbm,
           acc_v, thr_v, idx_v, conf_v, out_v,
           sem_t, sem_i0, sem_i1, sem_o):
    wid = lax.axis_index("s") * NC + lax.axis_index("c")
    base = wid * PER_W
    sem_in = (sem_i0, sem_i1)

    def start_in(c):
      b = c % 2
      off = base + c * CHUNK
      return (
          pltpu.async_copy(lab_hbm.at[pl.ds(off, CHUNK)], idx_v.at[b], sem_in[b]),
          pltpu.async_copy(conf_hbm.at[pl.ds(off, CHUNK)], conf_v.at[b], sem_in[b]),
      )

    ct = pltpu.async_copy(acc_hbm, acc_v.at[pl.ds(0, NUM_CLASSES)], sem_t)
    pending = {0: start_in(0)}
    ct.wait()

    @plsc.parallel_loop(0, CPAD, step=L, unroll=4)
    def _table(off):
      a = acc_v[pl.ds(off, L)]
      thr_v[pl.ds(off, L)] = jnp.float32(THRESHOLD) * (a / (2.0 - a))

    outs = []
    for c in range(NCH):
      b = c % 2
      ci, cc = pending.pop(c)
      ci.wait()
      cc.wait()
      if c + 1 < NCH:
        pending[c + 1] = start_in(c + 1)
      cbase = c * CHUNK

      @plsc.parallel_loop(0, CHUNK, step=L, unroll=8)
      def _main(off, _b=b, _cbase=cbase):
        idx = idx_v[_b, pl.ds(off, L)]
        th = plsc.load_gather(thr_v, [idx])
        conf = conf_v[_b, pl.ds(off, L)]
        out_v[pl.ds(_cbase + off, L)] = (
            jnp.where(conf >= th, 1.0, 0.0).astype(jnp.float32))

      outs.append(pltpu.async_copy(
          out_v.at[pl.ds(cbase, CHUNK)],
          out_hbm.at[pl.ds(base + cbase, CHUNK)], sem_o))

    for co in outs:
      co.wait()

  return body


_sc_kernel = _make_kernel()


@jax.jit
def kernel(confidence, pseudo_labels, classwise_acc):
  return _sc_kernel(confidence, pseudo_labels.astype(jnp.int32), classwise_acc)

# --- scband reference (transcript-rebuilt; emitter-appended) ---
"""Pipeline reference for scband-adaptive-confidence-based-self-training-loss-19250043421327 (READ-ONLY COPY).

The authoritative reference and input builder live on the scoring server;
editing this copy changes nothing except your own understanding.
"""

import jax, jax.numpy as jnp
import numpy as np

THRESHOLD = 0.95
NUM_CLASSES = 1000
N = 1048576

def setup_inputs(seed: int = 0) -> dict:
    key = jax.random.key(seed)
    k1, k2 = jax.random.split(key, 2)
    confidence = jax.random.uniform(k1, (N,), dtype=jnp.float32)
    pseudo_labels = jax.random.randint(k2, (N,), 0, NUM_CLASSES, dtype=jnp.int64 if jax.config.read('jax_enable_x64') else jnp.int32)
    classwise_acc = jnp.ones((NUM_CLASSES,), dtype=jnp.float32)
    return {"confidence": confidence, "pseudo_labels": pseudo_labels, "classwise_acc": classwise_acc}

def reference(confidence, pseudo_labels, classwise_acc):
    # gather per-sample class accuracy: classwise_acc[pseudo_labels]
    acc = jnp.take(classwise_acc, pseudo_labels, axis=0)
    adaptive_thresh = THRESHOLD * (acc / (2.0 - acc))
    mask = (confidence >= adaptive_thresh).astype(jnp.float32)
    return mask

if __name__ == "__main__":
    import jax
    _d = setup_inputs()
    print(jax.jit(kernel)(*tuple(_d.values())))

</pallas_src>

<mosaic_0001>
#map = affine_map<(d0, d1) -> (0)>
module attributes {stable_mosaic.version = 14 : i64} {
  func.func @body(%arg0: i32, %arg1: i32, %arg2: memref<1048576xf32, #tpu.memory_space<hbm>>, %arg3: memref<1048576xi32, #tpu.memory_space<hbm>>, %arg4: memref<1000xf32, #tpu.memory_space<hbm>>, %arg5: memref<1048576xf32, #tpu.memory_space<hbm>>, %arg6: memref<1024xf32, #tpu.memory_space<vmem>>, %arg7: memref<1024xf32, #tpu.memory_space<vmem>>, %arg8: memref<2x8192xi32, #tpu.memory_space<vmem>>, %arg9: memref<2x8192xf32, #tpu.memory_space<vmem>>, %arg10: memref<32768xf32, #tpu.memory_space<vmem>>, %arg11: memref<!tpu.dma_semaphore, #tpu.memory_space<semaphore_mem>>, %arg12: memref<!tpu.dma_semaphore, #tpu.memory_space<semaphore_mem>>, %arg13: memref<!tpu.dma_semaphore, #tpu.memory_space<semaphore_mem>>, %arg14: memref<!tpu.dma_semaphore, #tpu.memory_space<semaphore_mem>>) attributes {dimension_semantics = [#tpu.dimension_semantics<core_parallel>, #tpu.dimension_semantics<subcore_parallel>], iteration_bounds = array<i64: 2, 16>, scalar_prefetch = 0 : i64, scratch_operands = 9 : i64, tpu.core_type = #tpu.core_type<sc_vector_subcore>, window_params = [{transform_indices = #map}, {transform_indices = #map}, {transform_indices = #map}, {transform_indices = #map}]} {
    %mul3A = arith.constant 2 : i32
    %mul3A_0 = arith.muli %arg1, %mul3A : i32
    %add3A = arith.addi %mul3A_0, %arg0 : i32
    %mul3A_1 = arith.constant 32768 : i32
    %mul3A_2 = arith.muli %add3A, %mul3A_1 : i32
    %dma_start3A = arith.constant 0 : i32
    %dma_start3A_3 = tpu.memref_slice %arg6[%dma_start3A] : memref<1024xf32, #tpu.memory_space<vmem>> -> memref<1000xf32, #tpu.memory_space<vmem>>
    %dma_start3A_4 = arith.constant 0 : i32
    %dma_start3A_5 = tpu.memref_slice %arg6[%dma_start3A_4] : memref<1024xf32, #tpu.memory_space<vmem>> -> memref<1000xf32, #tpu.memory_space<vmem>>
    tpu.enqueue_dma source(%arg4 : memref<1000xf32, #tpu.memory_space<hbm>>) target(%dma_start3A_5 : memref<1000xf32, #tpu.memory_space<vmem>>) target_semaphore(%arg11 : memref<!tpu.dma_semaphore, #tpu.memory_space<semaphore_mem>>)
    %add3A_6 = arith.constant 0 : i32
    %add3A_7 = arith.addi %mul3A_2, %add3A_6 : i32
    %dma_start3A_8 = arith.constant 0 : i32
    %dma_start3A_9 = arith.constant 0 : i32
    %dma_start3A_10 = tpu.memref_slice %arg8[%dma_start3A_8, %dma_start3A_9] : memref<2x8192xi32, #tpu.memory_space<vmem>> -> memref<1x8192xi32, #tpu.memory_space<vmem>>
    %dma_start3A_11 = tpu.memref_squeeze %dma_start3A_10 : memref<1x8192xi32, #tpu.memory_space<vmem>> -> memref<8192xi32, #tpu.memory_space<vmem>>
    %dma_start3A_12 = tpu.memref_slice %arg3[%add3A_7] : memref<1048576xi32, #tpu.memory_space<hbm>> -> memref<8192xi32, #tpu.memory_space<hbm>>
    %dma_start3A_13 = arith.constant 0 : i32
    %dma_start3A_14 = tpu.memref_slice %arg8[%dma_start3A_8, %dma_start3A_13] : memref<2x8192xi32, #tpu.memory_space<vmem>> -> memref<1x8192xi32, #tpu.memory_space<vmem>>
    %dma_start3A_15 = tpu.memref_squeeze %dma_start3A_14 : memref<1x8192xi32, #tpu.memory_space<vmem>> -> memref<8192xi32, #tpu.memory_space<vmem>>
    %dma_start3A_16 = tpu.memref_slice %arg3[%add3A_7] : memref<1048576xi32, #tpu.memory_space<hbm>> -> memref<8192xi32, #tpu.memory_space<hbm>>
    tpu.enqueue_dma source(%dma_start3A_16 : memref<8192xi32, #tpu.memory_space<hbm>>) target(%dma_start3A_15 : memref<8192xi32, #tpu.memory_space<vmem>>) target_semaphore(%arg12 : memref<!tpu.dma_semaphore, #tpu.memory_space<semaphore_mem>>)
    %dma_start3A_17 = arith.constant 0 : i32
    %dma_start3A_18 = arith.constant 0 : i32
    %dma_start3A_19 = tpu.memref_slice %arg9[%dma_start3A_17, %dma_start3A_18] : memref<2x8192xf32, #tpu.memory_space<vmem>> -> memref<1x8192xf32, #tpu.memory_space<vmem>>
    %dma_start3A_20 = tpu.memref_squeeze %dma_start3A_19 : memref<1x8192xf32, #tpu.memory_space<vmem>> -> memref<8192xf32, #tpu.memory_space<vmem>>
    %dma_start3A_21 = tpu.memref_slice %arg2[%add3A_7] : memref<1048576xf32, #tpu.memory_space<hbm>> -> memref<8192xf32, #tpu.memory_space<hbm>>
    %dma_start3A_22 = arith.constant 0 : i32
    %dma_start3A_23 = tpu.memref_slice %arg9[%dma_start3A_17, %dma_start3A_22] : memref<2x8192xf32, #tpu.memory_space<vmem>> -> memref<1x8192xf32, #tpu.memory_space<vmem>>
    %dma_start3A_24 = tpu.memref_squeeze %dma_start3A_23 : memref<1x8192xf32, #tpu.memory_space<vmem>> -> memref<8192xf32, #tpu.memory_space<vmem>>
    %dma_start3A_25 = tpu.memref_slice %arg2[%add3A_7] : memref<1048576xf32, #tpu.memory_space<hbm>> -> memref<8192xf32, #tpu.memory_space<hbm>>
    tpu.enqueue_dma source(%dma_start3A_25 : memref<8192xf32, #tpu.memory_space<hbm>>) target(%dma_start3A_24 : memref<8192xf32, #tpu.memory_space<vmem>>) target_semaphore(%arg12 : memref<!tpu.dma_semaphore, #tpu.memory_space<semaphore_mem>>)
    %dma_wait3A = arith.constant 0 : i32
    %dma_wait3A_26 = tpu.memref_slice %arg6[%dma_wait3A] : memref<1024xf32, #tpu.memory_space<vmem>> -> memref<1000xf32, #tpu.memory_space<vmem>>
    %dma_wait3A_27 = arith.constant 0 : i32
    %dma_wait3A_28 = tpu.memref_slice %arg6[%dma_wait3A_27] : memref<1024xf32, #tpu.memory_space<vmem>> -> memref<1000xf32, #tpu.memory_space<vmem>>
    tpu.wait_dma2 semaphore(%arg11 : memref<!tpu.dma_semaphore, #tpu.memory_space<semaphore_mem>>) src(%arg4 : memref<1000xf32, #tpu.memory_space<hbm>>) dst(%dma_wait3A_28 : memref<1000xf32, #tpu.memory_space<vmem>>)
    %parallel_loop3A = arith.constant 0 : i32
    %parallel_loop3A_29 = arith.constant 1024 : i32
    %parallel_loop3A_30 = arith.constant 16 : i32
    scf.for %parallel_loop3A_231 = %parallel_loop3A to %parallel_loop3A_29 step %parallel_loop3A_30  : i32 {
      %parallel_loop3A_232 = arith.index_cast %parallel_loop3A_231 : i32 to index
      %parallel_loop3A_233 = tpu.vector_load %arg6[%parallel_loop3A_232] {strides = array<i32>} : memref<1024xf32, #tpu.memory_space<vmem>>, vector<16xf32>,
      %parallel_loop3A_234 = arith.constant 2.000000e+00 : f32
      %parallel_loop3A_235 = vector.broadcast %parallel_loop3A_234 : f32 to vector<16xf32>
      %parallel_loop3A_236 = arith.subf %parallel_loop3A_235, %parallel_loop3A_233 : vector<16xf32>
      %parallel_loop3A_237 = arith.divf %parallel_loop3A_233, %parallel_loop3A_236 : vector<16xf32>
      %parallel_loop3A_238 = arith.constant 0.949999988 : f32
      %parallel_loop3A_239 = vector.broadcast %parallel_loop3A_238 : f32 to vector<16xf32>
      %parallel_loop3A_240 = arith.mulf %parallel_loop3A_239, %parallel_loop3A_237 : vector<16xf32>
      %parallel_loop3A_241 = arith.index_cast %parallel_loop3A_231 : i32 to index
      %parallel_loop3A_242 = tpu.vector_load %arg7[%parallel_loop3A_241] {strides = array<i32>} : memref<1024xf32, #tpu.memory_space<vmem>>, vector<16xf32>,
      tpu.vector_store %arg7[%parallel_loop3A_241], %parallel_loop3A_240 {strides = array<i32>} : memref<1024xf32, #tpu.memory_space<vmem>>, vector<16xf32>,
    } {sc.loop_unroll_factor = 4 : i64, sc.parallel_access}
    %dma_wait3A_31 = arith.constant 0 : i32
    %dma_wait3A_32 = arith.constant 0 : i32
    %dma_wait3A_33 = tpu.memref_slice %arg8[%dma_wait3A_31, %dma_wait3A_32] : memref<2x8192xi32, #tpu.memory_space<vmem>> -> memref<1x8192xi32, #tpu.memory_space<vmem>>
    %dma_wait3A_34 = tpu.memref_squeeze %dma_wait3A_33 : memref<1x8192xi32, #tpu.memory_space<vmem>> -> memref<8192xi32, #tpu.memory_space<vmem>>
    %dma_wait3A_35 = tpu.memref_slice %arg3[%add3A_7] : memref<1048576xi32, #tpu.memory_space<hbm>> -> memref<8192xi32, #tpu.memory_space<hbm>>
    %dma_wait3A_36 = arith.constant 0 : i32
    %dma_wait3A_37 = tpu.memref_slice %arg8[%dma_wait3A_31, %dma_wait3A_36] : memref<2x8192xi32, #tpu.memory_space<vmem>> -> memref<1x8192xi32, #tpu.memory_space<vmem>>
    %dma_wait3A_38 = tpu.memref_squeeze %dma_wait3A_37 : memref<1x8192xi32, #tpu.memory_space<vmem>> -> memref<8192xi32, #tpu.memory_space<vmem>>
    %dma_wait3A_39 = tpu.memref_slice %arg3[%add3A_7] : memref<1048576xi32, #tpu.memory_space<hbm>> -> memref<8192xi32, #tpu.memory_space<hbm>>
    tpu.wait_dma2 semaphore(%arg12 : memref<!tpu.dma_semaphore, #tpu.memory_space<semaphore_mem>>) src(%dma_wait3A_39 : memref<8192xi32, #tpu.memory_space<hbm>>) dst(%dma_wait3A_38 : memref<8192xi32, #tpu.memory_space<vmem>>)
    %dma_wait3A_40 = arith.constant 0 : i32
    %dma_wait3A_41 = arith.constant 0 : i32
    %dma_wait3A_42 = tpu.memref_slice %arg9[%dma_wait3A_40, %dma_wait3A_41] : memref<2x8192xf32, #tpu.memory_space<vmem>> -> memref<1x8192xf32, #tpu.memory_space<vmem>>
    %dma_wait3A_43 = tpu.memref_squeeze %dma_wait3A_42 : memref<1x8192xf32, #tpu.memory_space<vmem>> -> memref<8192xf32, #tpu.memory_space<vmem>>
    %dma_wait3A_44 = tpu.memref_slice %arg2[%add3A_7] : memref<1048576xf32, #tpu.memory_space<hbm>> -> memref<8192xf32, #tpu.memory_space<hbm>>
    %dma_wait3A_45 = arith.constant 0 : i32
    %dma_wait3A_46 = tpu.memref_slice %arg9[%dma_wait3A_40, %dma_wait3A_45] : memref<2x8192xf32, #tpu.memory_space<vmem>> -> memref<1x8192xf32, #tpu.memory_space<vmem>>
    %dma_wait3A_47 = tpu.memref_squeeze %dma_wait3A_46 : memref<1x8192xf32, #tpu.memory_space<vmem>> -> memref<8192xf32, #tpu.memory_space<vmem>>
    %dma_wait3A_48 = tpu.memref_slice %arg2[%add3A_7] : memref<1048576xf32, #tpu.memory_space<hbm>> -> memref<8192xf32, #tpu.memory_space<hbm>>
    tpu.wait_dma2 semaphore(%arg12 : memref<!tpu.dma_semaphore, #tpu.memory_space<semaphore_mem>>) src(%dma_wait3A_48 : memref<8192xf32, #tpu.memory_space<hbm>>) dst(%dma_wait3A_47 : memref<8192xf32, #tpu.memory_space<vmem>>)
    %add3A_49 = arith.constant 8192 : i32
    %add3A_50 = arith.addi %mul3A_2, %add3A_49 : i32
    %dma_start3A_51 = arith.constant 1 : i32
    %dma_start3A_52 = arith.constant 0 : i32
    %dma_start3A_53 = tpu.memref_slice %arg8[%dma_start3A_51, %dma_start3A_52] : memref<2x8192xi32, #tpu.memory_space<vmem>> -> memref<1x8192xi32, #tpu.memory_space<vmem>>
    %dma_start3A_54 = tpu.memref_squeeze %dma_start3A_53 : memref<1x8192xi32, #tpu.memory_space<vmem>> -> memref<8192xi32, #tpu.memory_space<vmem>>
    %dma_start3A_55 = tpu.memref_slice %arg3[%add3A_50] : memref<1048576xi32, #tpu.memory_space<hbm>> -> memref<8192xi32, #tpu.memory_space<hbm>>
    %dma_start3A_56 = arith.constant 0 : i32
    %dma_start3A_57 = tpu.memref_slice %arg8[%dma_start3A_51, %dma_start3A_56] : memref<2x8192xi32, #tpu.memory_space<vmem>> -> memref<1x8192xi32, #tpu.memory_space<vmem>>
    %dma_start3A_58 = tpu.memref_squeeze %dma_start3A_57 : memref<1x8192xi32, #tpu.memory_space<vmem>> -> memref<8192xi32, #tpu.memory_space<vmem>>
    %dma_start3A_59 = tpu.memref_slice %arg3[%add3A_50] : memref<1048576xi32, #tpu.memory_space<hbm>> -> memref<8192xi32, #tpu.memory_space<hbm>>
    tpu.enqueue_dma source(%dma_start3A_59 : memref<8192xi32, #tpu.memory_space<hbm>>) target(%dma_start3A_58 : memref<8192xi32, #tpu.memory_space<vmem>>) target_semaphore(%arg13 : memref<!tpu.dma_semaphore, #tpu.memory_space<semaphore_mem>>)
    %dma_start3A_60 = arith.constant 1 : i32
    %dma_start3A_61 = arith.constant 0 : i32
    %dma_start3A_62 = tpu.memref_slice %arg9[%dma_start3A_60, %dma_start3A_61] : memref<2x8192xf32, #tpu.memory_space<vmem>> -> memref<1x8192xf32, #tpu.memory_space<vmem>>
    %dma_start3A_63 = tpu.memref_squeeze %dma_start3A_62 : memref<1x8192xf32, #tpu.memory_space<vmem>> -> memref<8192xf32, #tpu.memory_space<vmem>>
    %dma_start3A_64 = tpu.memref_slice %arg2[%add3A_50] : memref<1048576xf32, #tpu.memory_space<hbm>> -> memref<8192xf32, #tpu.memory_space<hbm>>
    %dma_start3A_65 = arith.constant 0 : i32
    %dma_start3A_66 = tpu.memref_slice %arg9[%dma_start3A_60, %dma_start3A_65] : memref<2x8192xf32, #tpu.memory_space<vmem>> -> memref<1x8192xf32, #tpu.memory_space<vmem>>
    %dma_start3A_67 = tpu.memref_squeeze %dma_start3A_66 : memref<1x8192xf32, #tpu.memory_space<vmem>> -> memref<8192xf32, #tpu.memory_space<vmem>>
    %dma_start3A_68 = tpu.memref_slice %arg2[%add3A_50] : memref<1048576xf32, #tpu.memory_space<hbm>> -> memref<8192xf32, #tpu.memory_space<hbm>>
    tpu.enqueue_dma source(%dma_start3A_68 : memref<8192xf32, #tpu.memory_space<hbm>>) target(%dma_start3A_67 : memref<8192xf32, #tpu.memory_space<vmem>>) target_semaphore(%arg13 : memref<!tpu.dma_semaphore, #tpu.memory_space<semaphore_mem>>)
    %parallel_loop3A_69 = arith.constant 0 : i32
    %parallel_loop3A_70 = arith.constant 8192 : i32
    %parallel_loop3A_71 = arith.constant 16 : i32
    scf.for %parallel_loop3A_231 = %parallel_loop3A_69 to %parallel_loop3A_70 step %parallel_loop3A_71  : i32 {
      %parallel_loop3A_232 = arith.constant 0 : i32
      %parallel_loop3A_233 = arith.index_cast %parallel_loop3A_232 : i32 to index
      %parallel_loop3A_234 = arith.index_cast %parallel_loop3A_231 : i32 to index
      %parallel_loop3A_235 = tpu.vector_load %arg8[%parallel_loop3A_233, %parallel_loop3A_234] {strides = array<i32>} : memref<2x8192xi32, #tpu.memory_space<vmem>>, vector<16xi32>,
      %parallel_loop3A_236 = tpu.vector_load_idx %arg7[%parallel_loop3A_235] : memref<1024xf32, #tpu.memory_space<vmem>>[vector<16xi32>], vector<16xf32>,
      %parallel_loop3A_237 = arith.constant 0 : i32
      %parallel_loop3A_238 = arith.index_cast %parallel_loop3A_237 : i32 to index
      %parallel_loop3A_239 = arith.index_cast %parallel_loop3A_231 : i32 to index
      %parallel_loop3A_240 = tpu.vector_load %arg9[%parallel_loop3A_238, %parallel_loop3A_239] {strides = array<i32>} : memref<2x8192xf32, #tpu.memory_space<vmem>>, vector<16xf32>,
      %parallel_loop3A_241 = arith.cmpf oge, %parallel_loop3A_240, %parallel_loop3A_236 : vector<16xf32>
      %parallel_loop3A_242 = arith.constant 1.000000e+00 : f32
      %parallel_loop3A_243 = arith.constant 0.000000e+00 : f32
      %parallel_loop3A_244 = vector.broadcast %parallel_loop3A_242 : f32 to vector<16xf32>
      %parallel_loop3A_245 = vector.broadcast %parallel_loop3A_243 : f32 to vector<16xf32>
      %parallel_loop3A_246 = arith.select %parallel_loop3A_241, %parallel_loop3A_244, %parallel_loop3A_245 : vector<16xi1>, vector<16xf32>
      %parallel_loop3A_247 = arith.constant 0 : i32
      %parallel_loop3A_248 = arith.addi %parallel_loop3A_247, %parallel_loop3A_231 : i32
      %parallel_loop3A_249 = arith.index_cast %parallel_loop3A_248 : i32 to index
      %parallel_loop3A_250 = tpu.vector_load %arg10[%parallel_loop3A_249] {strides = array<i32>} : memref<32768xf32, #tpu.memory_space<vmem>>, vector<16xf32>,
      tpu.vector_store %arg10[%parallel_loop3A_249], %parallel_loop3A_246 {strides = array<i32>} : memref<32768xf32, #tpu.memory_space<vmem>>, vector<16xf32>,
    } {sc.loop_unroll_factor = 8 : i64, sc.parallel_access}
    %add3A_72 = arith.constant 0 : i32
    %add3A_73 = arith.addi %mul3A_2, %add3A_72 : i32
    %dma_start3A_74 = arith.constant 0 : i32
    %dma_start3A_75 = tpu.memref_slice %arg10[%dma_start3A_74] : memref<32768xf32, #tpu.memory_space<vmem>> -> memref<8192xf32, #tpu.memory_space<vmem>>
    %dma_start3A_76 = tpu.memref_slice %arg5[%add3A_73] : memref<1048576xf32, #tpu.memory_space<hbm>> -> memref<8192xf32, #tpu.memory_space<hbm>>
    %dma_start3A_77 = tpu.memref_slice %arg5[%add3A_73] : memref<1048576xf32, #tpu.memory_space<hbm>> -> memref<8192xf32, #tpu.memory_space<hbm>>
    %dma_start3A_78 = arith.constant 0 : i32
    %dma_start3A_79 = tpu.memref_slice %arg10[%dma_start3A_78] : memref<32768xf32, #tpu.memory_space<vmem>> -> memref<8192xf32, #tpu.memory_space<vmem>>
    tpu.enqueue_dma source(%dma_start3A_79 : memref<8192xf32, #tpu.memory_space<vmem>>) target(%dma_start3A_77 : memref<8192xf32, #tpu.memory_space<hbm>>) target_semaphore(%arg14 : memref<!tpu.dma_semaphore, #tpu.memory_space<semaphore_mem>>)
    %dma_wait3A_80 = arith.constant 1 : i32
    %dma_wait3A_81 = arith.constant 0 : i32
    %dma_wait3A_82 = tpu.memref_slice %arg8[%dma_wait3A_80, %dma_wait3A_81] : memref<2x8192xi32, #tpu.memory_space<vmem>> -> memref<1x8192xi32, #tpu.memory_space<vmem>>
    %dma_wait3A_83 = tpu.memref_squeeze %dma_wait3A_82 : memref<1x8192xi32, #tpu.memory_space<vmem>> -> memref<8192xi32, #tpu.memory_space<vmem>>
    %dma_wait3A_84 = tpu.memref_slice %arg3[%add3A_50] : memref<1048576xi32, #tpu.memory_space<hbm>> -> memref<8192xi32, #tpu.memory_space<hbm>>
    %dma_wait3A_85 = arith.constant 0 : i32
    %dma_wait3A_86 = tpu.memref_slice %arg8[%dma_wait3A_80, %dma_wait3A_85] : memref<2x8192xi32, #tpu.memory_space<vmem>> -> memref<1x8192xi32, #tpu.memory_space<vmem>>
    %dma_wait3A_87 = tpu.memref_squeeze %dma_wait3A_86 : memref<1x8192xi32, #tpu.memory_space<vmem>> -> memref<8192xi32, #tpu.memory_space<vmem>>
    %dma_wait3A_88 = tpu.memref_slice %arg3[%add3A_50] : memref<1048576xi32, #tpu.memory_space<hbm>> -> memref<8192xi32, #tpu.memory_space<hbm>>
    tpu.wait_dma2 semaphore(%arg13 : memref<!tpu.dma_semaphore, #tpu.memory_space<semaphore_mem>>) src(%dma_wait3A_88 : memref<8192xi32, #tpu.memory_space<hbm>>) dst(%dma_wait3A_87 : memref<8192xi32, #tpu.memory_space<vmem>>)
    %dma_wait3A_89 = arith.constant 1 : i32
    %dma_wait3A_90 = arith.constant 0 : i32
    %dma_wait3A_91 = tpu.memref_slice %arg9[%dma_wait3A_89, %dma_wait3A_90] : memref<2x8192xf32, #tpu.memory_space<vmem>> -> memref<1x8192xf32, #tpu.memory_space<vmem>>
    %dma_wait3A_92 = tpu.memref_squeeze %dma_wait3A_91 : memref<1x8192xf32, #tpu.memory_space<vmem>> -> memref<8192xf32, #tpu.memory_space<vmem>>
    %dma_wait3A_93 = tpu.memref_slice %arg2[%add3A_50] : memref<1048576xf32, #tpu.memory_space<hbm>> -> memref<8192xf32, #tpu.memory_space<hbm>>
    %dma_wait3A_94 = arith.constant 0 : i32
    %dma_wait3A_95 = tpu.memref_slice %arg9[%dma_wait3A_89, %dma_wait3A_94] : memref<2x8192xf32, #tpu.memory_space<vmem>> -> memref<1x8192xf32, #tpu.memory_space<vmem>>
    %dma_wait3A_96 = tpu.memref_squeeze %dma_wait3A_95 : memref<1x8192xf32, #tpu.memory_space<vmem>> -> memref<8192xf32, #tpu.memory_space<vmem>>
    %dma_wait3A_97 = tpu.memref_slice %arg2[%add3A_50] : memref<1048576xf32, #tpu.memory_space<hbm>> -> memref<8192xf32, #tpu.memory_space<hbm>>
    tpu.wait_dma2 semaphore(%arg13 : memref<!tpu.dma_semaphore, #tpu.memory_space<semaphore_mem>>) src(%dma_wait3A_97 : memref<8192xf32, #tpu.memory_space<hbm>>) dst(%dma_wait3A_96 : memref<8192xf32, #tpu.memory_space<vmem>>)
    %add3A_98 = arith.constant 16384 : i32
    %add3A_99 = arith.addi %mul3A_2, %add3A_98 : i32
    %dma_start3A_100 = arith.constant 0 : i32
    %dma_start3A_101 = arith.constant 0 : i32
    %dma_start3A_102 = tpu.memref_slice %arg8[%dma_start3A_100, %dma_start3A_101] : memref<2x8192xi32, #tpu.memory_space<vmem>> -> memref<1x8192xi32, #tpu.memory_space<vmem>>
    %dma_start3A_103 = tpu.memref_squeeze %dma_start3A_102 : memref<1x8192xi32, #tpu.memory_space<vmem>> -> memref<8192xi32, #tpu.memory_space<vmem>>
    %dma_start3A_104 = tpu.memref_slice %arg3[%add3A_99] : memref<1048576xi32, #tpu.memory_space<hbm>> -> memref<8192xi32, #tpu.memory_space<hbm>>
    %dma_start3A_105 = arith.constant 0 : i32
    %dma_start3A_106 = tpu.memref_slice %arg8[%dma_start3A_100, %dma_start3A_105] : memref<2x8192xi32, #tpu.memory_space<vmem>> -> memref<1x8192xi32, #tpu.memory_space<vmem>>
    %dma_start3A_107 = tpu.memref_squeeze %dma_start3A_106 : memref<1x8192xi32, #tpu.memory_space<vmem>> -> memref<8192xi32, #tpu.memory_space<vmem>>
    %dma_start3A_108 = tpu.memref_slice %arg3[%add3A_99] : memref<1048576xi32, #tpu.memory_space<hbm>> -> memref<8192xi32, #tpu.memory_space<hbm>>
    tpu.enqueue_dma source(%dma_start3A_108 : memref<8192xi32, #tpu.memory_space<hbm>>) target(%dma_start3A_107 : memref<8192xi32, #tpu.memory_space<vmem>>) target_semaphore(%arg12 : memref<!tpu.dma_semaphore, #tpu.memory_space<semaphore_mem>>)
    %dma_start3A_109 = arith.constant 0 : i32
    %dma_start3A_110 = arith.constant 0 : i32
    %dma_start3A_111 = tpu.memref_slice %arg9[%dma_start3A_109, %dma_start3A_110] : memref<2x8192xf32, #tpu.memory_space<vmem>> -> memref<1x8192xf32, #tpu.memory_space<vmem>>
    %dma_start3A_112 = tpu.memref_squeeze %dma_start3A_111 : memref<1x8192xf32, #tpu.memory_space<vmem>> -> memref<8192xf32, #tpu.memory_space<vmem>>
    %dma_start3A_113 = tpu.memref_slice %arg2[%add3A_99] : memref<1048576xf32, #tpu.memory_space<hbm>> -> memref<8192xf32, #tpu.memory_space<hbm>>
    %dma_start3A_114 = arith.constant 0 : i32
    %dma_start3A_115 = tpu.memref_slice %arg9[%dma_start3A_109, %dma_start3A_114] : memref<2x8192xf32, #tpu.memory_space<vmem>> -> memref<1x8192xf32, #tpu.memory_space<vmem>>
    %dma_start3A_116 = tpu.memref_squeeze %dma_start3A_115 : memref<1x8192xf32, #tpu.memory_space<vmem>> -> memref<8192xf32, #tpu.memory_space<vmem>>
    %dma_start3A_117 = tpu.memref_slice %arg2[%add3A_99] : memref<1048576xf32, #tpu.memory_space<hbm>> -> memref<8192xf32, #tpu.memory_space<hbm>>
    tpu.enqueue_dma source(%dma_start3A_117 : memref<8192xf32, #tpu.memory_space<hbm>>) target(%dma_start3A_116 : memref<8192xf32, #tpu.memory_space<vmem>>) target_semaphore(%arg12 : memref<!tpu.dma_semaphore, #tpu.memory_space<semaphore_mem>>)
    %parallel_loop3A_118 = arith.constant 0 : i32
    %parallel_loop3A_119 = arith.constant 8192 : i32
    %parallel_loop3A_120 = arith.constant 16 : i32
    scf.for %parallel_loop3A_231 = %parallel_loop3A_118 to %parallel_loop3A_119 step %parallel_loop3A_120  : i32 {
      %parallel_loop3A_232 = arith.constant 1 : i32
      %parallel_loop3A_233 = arith.index_cast %parallel_loop3A_232 : i32 to index
      %parallel_loop3A_234 = arith.index_cast %parallel_loop3A_231 : i32 to index
      %parallel_loop3A_235 = tpu.vector_load %arg8[%parallel_loop3A_233, %parallel_loop3A_234] {strides = array<i32>} : memref<2x8192xi32, #tpu.memory_space<vmem>>, vector<16xi32>,
      %parallel_loop3A_236 = tpu.vector_load_idx %arg7[%parallel_loop3A_235] : memref<1024xf32, #tpu.memory_space<vmem>>[vector<16xi32>], vector<16xf32>,
      %parallel_loop3A_237 = arith.constant 1 : i32
      %parallel_loop3A_238 = arith.index_cast %parallel_loop3A_237 : i32 to index
      %parallel_loop3A_239 = arith.index_cast %parallel_loop3A_231 : i32 to index
      %parallel_loop3A_240 = tpu.vector_load %arg9[%parallel_loop3A_238, %parallel_loop3A_239] {strides = array<i32>} : memref<2x8192xf32, #tpu.memory_space<vmem>>, vector<16xf32>,
      %parallel_loop3A_241 = arith.cmpf oge, %parallel_loop3A_240, %parallel_loop3A_236 : vector<16xf32>
      %parallel_loop3A_242 = arith.constant 1.000000e+00 : f32
      %parallel_loop3A_243 = arith.constant 0.000000e+00 : f32
      %parallel_loop3A_244 = vector.broadcast %parallel_loop3A_242 : f32 to vector<16xf32>
      %parallel_loop3A_245 = vector.broadcast %parallel_loop3A_243 : f32 to vector<16xf32>
      %parallel_loop3A_246 = arith.select %parallel_loop3A_241, %parallel_loop3A_244, %parallel_loop3A_245 : vector<16xi1>, vector<16xf32>
      %parallel_loop3A_247 = arith.constant 8192 : i32
      %parallel_loop3A_248 = arith.addi %parallel_loop3A_247, %parallel_loop3A_231 : i32
      %parallel_loop3A_249 = arith.index_cast %parallel_loop3A_248 : i32 to index
      %parallel_loop3A_250 = tpu.vector_load %arg10[%parallel_loop3A_249] {strides = array<i32>} : memref<32768xf32, #tpu.memory_space<vmem>>, vector<16xf32>,
      tpu.vector_store %arg10[%parallel_loop3A_249], %parallel_loop3A_246 {strides = array<i32>} : memref<32768xf32, #tpu.memory_space<vmem>>, vector<16xf32>,
    } {sc.loop_unroll_factor = 8 : i64, sc.parallel_access}
    %add3A_121 = arith.constant 8192 : i32
    %add3A_122 = arith.addi %mul3A_2, %add3A_121 : i32
    %dma_start3A_123 = arith.constant 8192 : i32
    %dma_start3A_124 = tpu.memref_slice %arg10[%dma_start3A_123] : memref<32768xf32, #tpu.memory_space<vmem>> -> memref<8192xf32, #tpu.memory_space<vmem>>
    %dma_start3A_125 = tpu.memref_slice %arg5[%add3A_122] : memref<1048576xf32, #tpu.memory_space<hbm>> -> memref<8192xf32, #tpu.memory_space<hbm>>
    %dma_start3A_126 = tpu.memref_slice %arg5[%add3A_122] : memref<1048576xf32, #tpu.memory_space<hbm>> -> memref<8192xf32, #tpu.memory_space<hbm>>
    %dma_start3A_127 = arith.constant 8192 : i32
    %dma_start3A_128 = tpu.memref_slice %arg10[%dma_start3A_127] : memref<32768xf32, #tpu.memory_space<vmem>> -> memref<8192xf32, #tpu.memory_space<vmem>>
    tpu.enqueue_dma source(%dma_start3A_128 : memref<8192xf32, #tpu.memory_space<vmem>>) target(%dma_start3A_126 : memref<8192xf32, #tpu.memory_space<hbm>>) target_semaphore(%arg14 : memref<!tpu.dma_semaphore, #tpu.memory_space<semaphore_mem>>)
    %dma_wait3A_129 = arith.constant 0 : i32
    %dma_wait3A_130 = arith.constant 0 : i32
    %dma_wait3A_131 = tpu.memref_slice %arg8[%dma_wait3A_129, %dma_wait3A_130] : memref<2x8192xi32, #tpu.memory_space<vmem>> -> memref<1x8192xi32, #tpu.memory_space<vmem>>
    %dma_wait3A_132 = tpu.memref_squeeze %dma_wait3A_131 : memref<1x8192xi32, #tpu.memory_space<vmem>> -> memref<8192xi32, #tpu.memory_space<vmem>>
    %dma_wait3A_133 = tpu.memref_slice %arg3[%add3A_99] : memref<1048576xi32, #tpu.memory_space<hbm>> -> memref<8192xi32, #tpu.memory_space<hbm>>
    %dma_wait3A_134 = arith.constant 0 : i32
    %dma_wait3A_135 = tpu.memref_slice %arg8[%dma_wait3A_129, %dma_wait3A_134] : memref<2x8192xi32, #tpu.memory_space<vmem>> -> memref<1x8192xi32, #tpu.memory_space<vmem>>
    %dma_wait3A_136 = tpu.memref_squeeze %dma_wait3A_135 : memref<1x8192xi32, #tpu.memory_space<vmem>> -> memref<8192xi32, #tpu.memory_space<vmem>>
    %dma_wait3A_137 = tpu.memref_slice %arg3[%add3A_99] : memref<1048576xi32, #tpu.memory_space<hbm>> -> memref<8192xi32, #tpu.memory_space<hbm>>
    tpu.wait_dma2 semaphore(%arg12 : memref<!tpu.dma_semaphore, #tpu.memory_space<semaphore_mem>>) src(%dma_wait3A_137 : memref<8192xi32, #tpu.memory_space<hbm>>) dst(%dma_wait3A_136 : memref<8192xi32, #tpu.memory_space<vmem>>)
    %dma_wait3A_138 = arith.constant 0 : i32
    %dma_wait3A_139 = arith.constant 0 : i32
    %dma_wait3A_140 = tpu.memref_slice %arg9[%dma_wait3A_138, %dma_wait3A_139] : memref<2x8192xf32, #tpu.memory_space<vmem>> -> memref<1x8192xf32, #tpu.memory_space<vmem>>
    %dma_wait3A_141 = tpu.memref_squeeze %dma_wait3A_140 : memref<1x8192xf32, #tpu.memory_space<vmem>> -> memref<8192xf32, #tpu.memory_space<vmem>>
    %dma_wait3A_142 = tpu.memref_slice %arg2[%add3A_99] : memref<1048576xf32, #tpu.memory_space<hbm>> -> memref<8192xf32, #tpu.memory_space<hbm>>
    %dma_wait3A_143 = arith.constant 0 : i32
    %dma_wait3A_144 = tpu.memref_slice %arg9[%dma_wait3A_138, %dma_wait3A_143] : memref<2x8192xf32, #tpu.memory_space<vmem>> -> memref<1x8192xf32, #tpu.memory_space<vmem>>
    %dma_wait3A_145 = tpu.memref_squeeze %dma_wait3A_144 : memref<1x8192xf32, #tpu.memory_space<vmem>> -> memref<8192xf32, #tpu.memory_space<vmem>>
    %dma_wait3A_146 = tpu.memref_slice %arg2[%add3A_99] : memref<1048576xf32, #tpu.memory_space<hbm>> -> memref<8192xf32, #tpu.memory_space<hbm>>
    tpu.wait_dma2 semaphore(%arg12 : memref<!tpu.dma_semaphore, #tpu.memory_space<semaphore_mem>>) src(%dma_wait3A_146 : memref<8192xf32, #tpu.memory_space<hbm>>) dst(%dma_wait3A_145 : memref<8192xf32, #tpu.memory_space<vmem>>)
    %add3A_147 = arith.constant 24576 : i32
    %add3A_148 = arith.addi %mul3A_2, %add3A_147 : i32
    %dma_start3A_149 = arith.constant 1 : i32
    %dma_start3A_150 = arith.constant 0 : i32
    %dma_start3A_151 = tpu.memref_slice %arg8[%dma_start3A_149, %dma_start3A_150] : memref<2x8192xi32, #tpu.memory_space<vmem>> -> memref<1x8192xi32, #tpu.memory_space<vmem>>
    %dma_start3A_152 = tpu.memref_squeeze %dma_start3A_151 : memref<1x8192xi32, #tpu.memory_space<vmem>> -> memref<8192xi32, #tpu.memory_space<vmem>>
    %dma_start3A_153 = tpu.memref_slice %arg3[%add3A_148] : memref<1048576xi32, #tpu.memory_space<hbm>> -> memref<8192xi32, #tpu.memory_space<hbm>>
    %dma_start3A_154 = arith.constant 0 : i32
    %dma_start3A_155 = tpu.memref_slice %arg8[%dma_start3A_149, %dma_start3A_154] : memref<2x8192xi32, #tpu.memory_space<vmem>> -> memref<1x8192xi32, #tpu.memory_space<vmem>>
    %dma_start3A_156 = tpu.memref_squeeze %dma_start3A_155 : memref<1x8192xi32, #tpu.memory_space<vmem>> -> memref<8192xi32, #tpu.memory_space<vmem>>
    %dma_start3A_157 = tpu.memref_slice %arg3[%add3A_148] : memref<1048576xi32, #tpu.memory_space<hbm>> -> memref<8192xi32, #tpu.memory_space<hbm>>
    tpu.enqueue_dma source(%dma_start3A_157 : memref<8192xi32, #tpu.memory_space<hbm>>) target(%dma_start3A_156 : memref<8192xi32, #tpu.memory_space<vmem>>) target_semaphore(%arg13 : memref<!tpu.dma_semaphore, #tpu.memory_space<semaphore_mem>>)
    %dma_start3A_158 = arith.constant 1 : i32
    %dma_start3A_159 = arith.constant 0 : i32
    %dma_start3A_160 = tpu.memref_slice %arg9[%dma_start3A_158, %dma_start3A_159] : memref<2x8192xf32, #tpu.memory_space<vmem>> -> memref<1x8192xf32, #tpu.memory_space<vmem>>
    %dma_start3A_161 = tpu.memref_squeeze %dma_start3A_160 : memref<1x8192xf32, #tpu.memory_space<vmem>> -> memref<8192xf32, #tpu.memory_space<vmem>>
    %dma_start3A_162 = tpu.memref_slice %arg2[%add3A_148] : memref<1048576xf32, #tpu.memory_space<hbm>> -> memref<8192xf32, #tpu.memory_space<hbm>>
    %dma_start3A_163 = arith.constant 0 : i32
    %dma_start3A_164 = tpu.memref_slice %arg9[%dma_start3A_158, %dma_start3A_163] : memref<2x8192xf32, #tpu.memory_space<vmem>> -> memref<1x8192xf32, #tpu.memory_space<vmem>>
    %dma_start3A_165 = tpu.memref_squeeze %dma_start3A_164 : memref<1x8192xf32, #tpu.memory_space<vmem>> -> memref<8192xf32, #tpu.memory_space<vmem>>
    %dma_start3A_166 = tpu.memref_slice %arg2[%add3A_148] : memref<1048576xf32, #tpu.memory_space<hbm>> -> memref<8192xf32, #tpu.memory_space<hbm>>
    tpu.enqueue_dma source(%dma_start3A_166 : memref<8192xf32, #tpu.memory_space<hbm>>) target(%dma_start3A_165 : memref<8192xf32, #tpu.memory_space<vmem>>) target_semaphore(%arg13 : memref<!tpu.dma_semaphore, #tpu.memory_space<semaphore_mem>>)
    %parallel_loop3A_167 = arith.constant 0 : i32
    %parallel_loop3A_168 = arith.constant 8192 : i32
    %parallel_loop3A_169 = arith.constant 16 : i32
    scf.for %parallel_loop3A_231 = %parallel_loop3A_167 to %parallel_loop3A_168 step %parallel_loop3A_169  : i32 {
      %parallel_loop3A_232 = arith.constant 0 : i32
      %parallel_loop3A_233 = arith.index_cast %parallel_loop3A_232 : i32 to index
      %parallel_loop3A_234 = arith.index_cast %parallel_loop3A_231 : i32 to index
      %parallel_loop3A_235 = tpu.vector_load %arg8[%parallel_loop3A_233, %parallel_loop3A_234] {strides = array<i32>} : memref<2x8192xi32, #tpu.memory_space<vmem>>, vector<16xi32>,
      %parallel_loop3A_236 = tpu.vector_load_idx %arg7[%parallel_loop3A_235] : memref<1024xf32, #tpu.memory_space<vmem>>[vector<16xi32>], vector<16xf32>,
      %parallel_loop3A_237 = arith.constant 0 : i32
      %parallel_loop3A_238 = arith.index_cast %parallel_loop3A_237 : i32 to index
      %parallel_loop3A_239 = arith.index_cast %parallel_loop3A_231 : i32 to index
      %parallel_loop3A_240 = tpu.vector_load %arg9[%parallel_loop3A_238, %parallel_loop3A_239] {strides = array<i32>} : memref<2x8192xf32, #tpu.memory_space<vmem>>, vector<16xf32>,
      %parallel_loop3A_241 = arith.cmpf oge, %parallel_loop3A_240, %parallel_loop3A_236 : vector<16xf32>
      %parallel_loop3A_242 = arith.constant 1.000000e+00 : f32
      %parallel_loop3A_243 = arith.constant 0.000000e+00 : f32
      %parallel_loop3A_244 = vector.broadcast %parallel_loop3A_242 : f32 to vector<16xf32>
      %parallel_loop3A_245 = vector.broadcast %parallel_loop3A_243 : f32 to vector<16xf32>
      %parallel_loop3A_246 = arith.select %parallel_loop3A_241, %parallel_loop3A_244, %parallel_loop3A_245 : vector<16xi1>, vector<16xf32>
      %parallel_loop3A_247 = arith.constant 16384 : i32
      %parallel_loop3A_248 = arith.addi %parallel_loop3A_247, %parallel_loop3A_231 : i32
      %parallel_loop3A_249 = arith.index_cast %parallel_loop3A_248 : i32 to index
      %parallel_loop3A_250 = tpu.vector_load %arg10[%parallel_loop3A_249] {strides = array<i32>} : memref<32768xf32, #tpu.memory_space<vmem>>, vector<16xf32>,
      tpu.vector_store %arg10[%parallel_loop3A_249], %parallel_loop3A_246 {strides = array<i32>} : memref<32768xf32, #tpu.memory_space<vmem>>, vector<16xf32>,
    } {sc.loop_unroll_factor = 8 : i64, sc.parallel_access}
    %add3A_170 = arith.constant 16384 : i32
    %add3A_171 = arith.addi %mul3A_2, %add3A_170 : i32
    %dma_start3A_172 = arith.constant 16384 : i32
    %dma_start3A_173 = tpu.memref_slice %arg10[%dma_start3A_172] : memref<32768xf32, #tpu.memory_space<vmem>> -> memref<8192xf32, #tpu.memory_space<vmem>>
    %dma_start3A_174 = tpu.memref_slice %arg5[%add3A_171] : memref<1048576xf32, #tpu.memory_space<hbm>> -> memref<8192xf32, #tpu.memory_space<hbm>>
    %dma_start3A_175 = tpu.memref_slice %arg5[%add3A_171] : memref<1048576xf32, #tpu.memory_space<hbm>> -> memref<8192xf32, #tpu.memory_space<hbm>>
    %dma_start3A_176 = arith.constant 16384 : i32
    %dma_start3A_177 = tpu.memref_slice %arg10[%dma_start3A_176] : memref<32768xf32, #tpu.memory_space<vmem>> -> memref<8192xf32, #tpu.memory_space<vmem>>
    tpu.enqueue_dma source(%dma_start3A_177 : memref<8192xf32, #tpu.memory_space<vmem>>) target(%dma_start3A_175 : memref<8192xf32, #tpu.memory_space<hbm>>) target_semaphore(%arg14 : memref<!tpu.dma_semaphore, #tpu.memory_space<semaphore_mem>>)
    %dma_wait3A_178 = arith.constant 1 : i32
    %dma_wait3A_179 = arith.constant 0 : i32
    %dma_wait3A_180 = tpu.memref_slice %arg8[%dma_wait3A_178, %dma_wait3A_179] : memref<2x8192xi32, #tpu.memory_space<vmem>> -> memref<1x8192xi32, #tpu.memory_space<vmem>>
    %dma_wait3A_181 = tpu.memref_squeeze %dma_wait3A_180 : memref<1x8192xi32, #tpu.memory_space<vmem>> -> memref<8192xi32, #tpu.memory_space<vmem>>
    %dma_wait3A_182 = tpu.memref_slice %arg3[%add3A_148] : memref<1048576xi32, #tpu.memory_space<hbm>> -> memref<8192xi32, #tpu.memory_space<hbm>>
    %dma_wait3A_183 = arith.constant 0 : i32
    %dma_wait3A_184 = tpu.memref_slice %arg8[%dma_wait3A_178, %dma_wait3A_183] : memref<2x8192xi32, #tpu.memory_space<vmem>> -> memref<1x8192xi32, #tpu.memory_space<vmem>>
    %dma_wait3A_185 = tpu.memref_squeeze %dma_wait3A_184 : memref<1x8192xi32, #tpu.memory_space<vmem>> -> memref<8192xi32, #tpu.memory_space<vmem>>
    %dma_wait3A_186 = tpu.memref_slice %arg3[%add3A_148] : memref<1048576xi32, #tpu.memory_space<hbm>> -> memref<8192xi32, #tpu.memory_space<hbm>>
    tpu.wait_dma2 semaphore(%arg13 : memref<!tpu.dma_semaphore, #tpu.memory_space<semaphore_mem>>) src(%dma_wait3A_186 : memref<8192xi32, #tpu.memory_space<hbm>>) dst(%dma_wait3A_185 : memref<8192xi32, #tpu.memory_space<vmem>>)
    %dma_wait3A_187 = arith.constant 1 : i32
    %dma_wait3A_188 = arith.constant 0 : i32
    %dma_wait3A_189 = tpu.memref_slice %arg9[%dma_wait3A_187, %dma_wait3A_188] : memref<2x8192xf32, #tpu.memory_space<vmem>> -> memref<1x8192xf32, #tpu.memory_space<vmem>>
    %dma_wait3A_190 = tpu.memref_squeeze %dma_wait3A_189 : memref<1x8192xf32, #tpu.memory_space<vmem>> -> memref<8192xf32, #tpu.memory_space<vmem>>
    %dma_wait3A_191 = tpu.memref_slice %arg2[%add3A_148] : memref<1048576xf32, #tpu.memory_space<hbm>> -> memref<8192xf32, #tpu.memory_space<hbm>>
    %dma_wait3A_192 = arith.constant 0 : i32
    %dma_wait3A_193 = tpu.memref_slice %arg9[%dma_wait3A_187, %dma_wait3A_192] : memref<2x8192xf32, #tpu.memory_space<vmem>> -> memref<1x8192xf32, #tpu.memory_space<vmem>>
    %dma_wait3A_194 = tpu.memref_squeeze %dma_wait3A_193 : memref<1x8192xf32, #tpu.memory_space<vmem>> -> memref<8192xf32, #tpu.memory_space<vmem>>
    %dma_wait3A_195 = tpu.memref_slice %arg2[%add3A_148] : memref<1048576xf32, #tpu.memory_space<hbm>> -> memref<8192xf32, #tpu.memory_space<hbm>>
    tpu.wait_dma2 semaphore(%arg13 : memref<!tpu.dma_semaphore, #tpu.memory_space<semaphore_mem>>) src(%dma_wait3A_195 : memref<8192xf32, #tpu.memory_space<hbm>>) dst(%dma_wait3A_194 : memref<8192xf32, #tpu.memory_space<vmem>>)
    %parallel_loop3A_196 = arith.constant 0 : i32
    %parallel_loop3A_197 = arith.constant 8192 : i32
    %parallel_loop3A_198 = arith.constant 16 : i32
    scf.for %parallel_loop3A_231 = %parallel_loop3A_196 to %parallel_loop3A_197 step %parallel_loop3A_198  : i32 {
      %parallel_loop3A_232 = arith.constant 1 : i32
      %parallel_loop3A_233 = arith.index_cast %parallel_loop3A_232 : i32 to index
      %parallel_loop3A_234 = arith.index_cast %parallel_loop3A_231 : i32 to index
      %parallel_loop3A_235 = tpu.vector_load %arg8[%parallel_loop3A_233, %parallel_loop3A_234] {strides = array<i32>} : memref<2x8192xi32, #tpu.memory_space<vmem>>, vector<16xi32>,
      %parallel_loop3A_236 = tpu.vector_load_idx %arg7[%parallel_loop3A_235] : memref<1024xf32, #tpu.memory_space<vmem>>[vector<16xi32>], vector<16xf32>,
      %parallel_loop3A_237 = arith.constant 1 : i32
      %parallel_loop3A_238 = arith.index_cast %parallel_loop3A_237 : i32 to index
      %parallel_loop3A_239 = arith.index_cast %parallel_loop3A_231 : i32 to index
      %parallel_loop3A_240 = tpu.vector_load %arg9[%parallel_loop3A_238, %parallel_loop3A_239] {strides = array<i32>} : memref<2x8192xf32, #tpu.memory_space<vmem>>, vector<16xf32>,
      %parallel_loop3A_241 = arith.cmpf oge, %parallel_loop3A_240, %parallel_loop3A_236 : vector<16xf32>
      %parallel_loop3A_242 = arith.constant 1.000000e+00 : f32
      %parallel_loop3A_243 = arith.constant 0.000000e+00 : f32
      %parallel_loop3A_244 = vector.broadcast %parallel_loop3A_242 : f32 to vector<16xf32>
      %parallel_loop3A_245 = vector.broadcast %parallel_loop3A_243 : f32 to vector<16xf32>
      %parallel_loop3A_246 = arith.select %parallel_loop3A_241, %parallel_loop3A_244, %parallel_loop3A_245 : vector<16xi1>, vector<16xf32>
      %parallel_loop3A_247 = arith.constant 24576 : i32
      %parallel_loop3A_248 = arith.addi %parallel_loop3A_247, %parallel_loop3A_231 : i32
      %parallel_loop3A_249 = arith.index_cast %parallel_loop3A_248 : i32 to index
      %parallel_loop3A_250 = tpu.vector_load %arg10[%parallel_loop3A_249] {strides = array<i32>} : memref<32768xf32, #tpu.memory_space<vmem>>, vector<16xf32>,
      tpu.vector_store %arg10[%parallel_loop3A_249], %parallel_loop3A_246 {strides = array<i32>} : memref<32768xf32, #tpu.memory_space<vmem>>, vector<16xf32>,
    } {sc.loop_unroll_factor = 8 : i64, sc.parallel_access}
    %add3A_199 = arith.constant 24576 : i32
    %add3A_200 = arith.addi %mul3A_2, %add3A_199 : i32
    %dma_start3A_201 = arith.constant 24576 : i32
    %dma_start3A_202 = tpu.memref_slice %arg10[%dma_start3A_201] : memref<32768xf32, #tpu.memory_space<vmem>> -> memref<8192xf32, #tpu.memory_space<vmem>>
    %dma_start3A_203 = tpu.memref_slice %arg5[%add3A_200] : memref<1048576xf32, #tpu.memory_space<hbm>> -> memref<8192xf32, #tpu.memory_space<hbm>>
    %dma_start3A_204 = tpu.memref_slice %arg5[%add3A_200] : memref<1048576xf32, #tpu.memory_space<hbm>> -> memref<8192xf32, #tpu.memory_space<hbm>>
    %dma_start3A_205 = arith.constant 24576 : i32
    %dma_start3A_206 = tpu.memref_slice %arg10[%dma_start3A_205] : memref<32768xf32, #tpu.memory_space<vmem>> -> memref<8192xf32, #tpu.memory_space<vmem>>
    tpu.enqueue_dma source(%dma_start3A_206 : memref<8192xf32, #tpu.memory_space<vmem>>) target(%dma_start3A_204 : memref<8192xf32, #tpu.memory_space<hbm>>) target_semaphore(%arg14 : memref<!tpu.dma_semaphore, #tpu.memory_space<semaphore_mem>>)
    %dma_wait3A_207 = arith.constant 0 : i32
    %dma_wait3A_208 = tpu.memref_slice %arg10[%dma_wait3A_207] : memref<32768xf32, #tpu.memory_space<vmem>> -> memref<8192xf32, #tpu.memory_space<vmem>>
    %dma_wait3A_209 = tpu.memref_slice %arg5[%add3A_73] : memref<1048576xf32, #tpu.memory_space<hbm>> -> memref<8192xf32, #tpu.memory_space<hbm>>
    %dma_wait3A_210 = tpu.memref_slice %arg5[%add3A_73] : memref<1048576xf32, #tpu.memory_space<hbm>> -> memref<8192xf32, #tpu.memory_space<hbm>>
    %dma_wait3A_211 = arith.constant 0 : i32
    %dma_wait3A_212 = tpu.memref_slice %arg10[%dma_wait3A_211] : memref<32768xf32, #tpu.memory_space<vmem>> -> memref<8192xf32, #tpu.memory_space<vmem>>
    tpu.wait_dma2 semaphore(%arg14 : memref<!tpu.dma_semaphore, #tpu.memory_space<semaphore_mem>>) src(%dma_wait3A_212 : memref<8192xf32, #tpu.memory_space<vmem>>) dst(%dma_wait3A_210 : memref<8192xf32, #tpu.memory_space<hbm>>)
    %dma_wait3A_213 = arith.constant 8192 : i32
    %dma_wait3A_214 = tpu.memref_slice %arg10[%dma_wait3A_213] : memref<32768xf32, #tpu.memory_space<vmem>> -> memref<8192xf32, #tpu.memory_space<vmem>>
    %dma_wait3A_215 = tpu.memref_slice %arg5[%add3A_122] : memref<1048576xf32, #tpu.memory_space<hbm>> -> memref<8192xf32, #tpu.memory_space<hbm>>
    %dma_wait3A_216 = tpu.memref_slice %arg5[%add3A_122] : memref<1048576xf32, #tpu.memory_space<hbm>> -> memref<8192xf32, #tpu.memory_space<hbm>>
    %dma_wait3A_217 = arith.constant 8192 : i32
    %dma_wait3A_218 = tpu.memref_slice %arg10[%dma_wait3A_217] : memref<32768xf32, #tpu.memory_space<vmem>> -> memref<8192xf32, #tpu.memory_space<vmem>>
    tpu.wait_dma2 semaphore(%arg14 : memref<!tpu.dma_semaphore, #tpu.memory_space<semaphore_mem>>) src(%dma_wait3A_218 : memref<8192xf32, #tpu.memory_space<vmem>>) dst(%dma_wait3A_216 : memref<8192xf32, #tpu.memory_space<hbm>>)
    %dma_wait3A_219 = arith.constant 16384 : i32
    %dma_wait3A_220 = tpu.memref_slice %arg10[%dma_wait3A_219] : memref<32768xf32, #tpu.memory_space<vmem>> -> memref<8192xf32, #tpu.memory_space<vmem>>
    %dma_wait3A_221 = tpu.memref_slice %arg5[%add3A_171] : memref<1048576xf32, #tpu.memory_space<hbm>> -> memref<8192xf32, #tpu.memory_space<hbm>>
    %dma_wait3A_222 = tpu.memref_slice %arg5[%add3A_171] : memref<1048576xf32, #tpu.memory_space<hbm>> -> memref<8192xf32, #tpu.memory_space<hbm>>
    %dma_wait3A_223 = arith.constant 16384 : i32
    %dma_wait3A_224 = tpu.memref_slice %arg10[%dma_wait3A_223] : memref<32768xf32, #tpu.memory_space<vmem>> -> memref<8192xf32, #tpu.memory_space<vmem>>
    tpu.wait_dma2 semaphore(%arg14 : memref<!tpu.dma_semaphore, #tpu.memory_space<semaphore_mem>>) src(%dma_wait3A_224 : memref<8192xf32, #tpu.memory_space<vmem>>) dst(%dma_wait3A_222 : memref<8192xf32, #tpu.memory_space<hbm>>)
    %dma_wait3A_225 = arith.constant 24576 : i32
    %dma_wait3A_226 = tpu.memref_slice %arg10[%dma_wait3A_225] : memref<32768xf32, #tpu.memory_space<vmem>> -> memref<8192xf32, #tpu.memory_space<vmem>>
    %dma_wait3A_227 = tpu.memref_slice %arg5[%add3A_200] : memref<1048576xf32, #tpu.memory_space<hbm>> -> memref<8192xf32, #tpu.memory_space<hbm>>
    %dma_wait3A_228 = tpu.memref_slice %arg5[%add3A_200] : memref<1048576xf32, #tpu.memory_space<hbm>> -> memref<8192xf32, #tpu.memory_space<hbm>>
    %dma_wait3A_229 = arith.constant 24576 : i32
    %dma_wait3A_230 = tpu.memref_slice %arg10[%dma_wait3A_229] : memref<32768xf32, #tpu.memory_space<vmem>> -> memref<8192xf32, #tpu.memory_space<vmem>>
    tpu.wait_dma2 semaphore(%arg14 : memref<!tpu.dma_semaphore, #tpu.memory_space<semaphore_mem>>) src(%dma_wait3A_230 : memref<8192xf32, #tpu.memory_space<vmem>>) dst(%dma_wait3A_228 : memref<8192xf32, #tpu.memory_space<hbm>>)
    return
  }
}

</mosaic_0001>

<sc_bundles>
// kernel: kernel.3.cloned.1.call-start
scs
__scs_entry_jumppad:
0x0: {  	(pc) =	sbr.rel $0x88, $3  }
0x1: {  	(tag) =	ssettag $0x0;
	lr =	simm.s32 $0x1  }
0x2: {  	[smem:$0x3F9E] =	sst lr;
	_ =	strace $0xD0000000  }
0x3: {  	_ = 	snop  }
0x4: {  	_ = 	snop  }
0x5: {  	_ = 	snop  }
0x6: {  	_ = 	snop  }
0x7: {  	_ = 	snop  }
__scs_overlays_trampoline_lowered:
0x8: {  	[smem:$0x3FAD] =	sst s0  }
0x9: {  	[smem:$0x3FAE] =	sst s1  }
0xa: {  	[smem:$0x3FAF] =	sst s2  }
0xb: {  	[smem:$0x3FB0] =	sst s3  }
0xc: {  	[smem:$0x3FB1] =	sst s4  }
0xd: {  	[smem:$0x3FB2] =	sst s5  }
0xe: {  	[smem:$0x3FB3] =	sst s6  }
0xf: {  	[smem:$0x3FB4] =	sst s7  }
0x10: {  	[smem:$0x3FB5] =	sst s8  }
0x11: {  	[smem:$0x3FB6] =	sst s9;
	s0 =	simm.s32 @!p0 $0x0  }
0x12: {  	s1 =	sld [smem:$0x3F9C];
	s0 =	simm.s32 @p0 $0x1  }
0x13: {  	[smem:$0x3FB7] =	sst s0;
	s0 =	simm.s32 @!p1 $0x0  }
0x14: {  	s2 =	sld [smem:$0x3F9B];
	s0 =	simm.s32 @p1 $0x1  }
0x15: {  	[smem:$0x3FB8] =	sst s0;
	s0 =	simm.s32 @!p2 $0x0  }
0x16: {  	s3 =	sld [smem:$0x3FDB];
	s0 =	simm.s32 @p2 $0x1  }
0x17: {  	s4 =	simm.s32 $0x1BF5;
	[smem:$0x3FBA] =	sst s0  }
0x18: {  	s0 =	sld [smem:$0x3F9D];
	_ =	swait.ge [sflag:s4], $0x0  }
0x19: {  	s7 =	sld [smem:$0x3F9E]  }
0x1a: {  	s8 =	sadd.s32 $0xFFFFE003, lr  }
0x1b: {  	s9 =	sadd.s32 $0xFFFFFEF7, lr;
	s5 =	simm.s32 $0xFFFFFFFF;
	p2 =	slt.u32 s8, $0xFFFFF086  }
0x1c: {  	p1 =	slt.u32 s9, $0xF7A;
	s5 =	simm.s32 @!p2 $0x0  }
0x1d: {  	s5 =	simm.s32 @p1 $0x1;
	p0 =	seq.s32 s7, s2  }
0x1e: {  	s7 =	smul.u32 @!p0 $0xF7A, s2;
	p2 =	seq.s32 @!p0 s5, $0x0  }
0x1f: {  	s9 =	smul.u32 $0xF7A, s1;
	s8 =	simm.s32 @!p0 $0x1BF5;
	p2 =	por !p2, p0  }
0x20: {  	[sflag:s8] =	ssyncset.s32 @!p0 $0xFFFFF086;
	s6 =	sadd.s32 @!p0 s3, s7;
	s7 =	simm.s32 @!p0 $0x108  }
0x21: {  	s3 =	sadd.s32 s3, s9;
	s6 =	sadd.s32 @!p0 $0x88, s6;
	s7 =	simm.s32 @p2 $0x1082  }
0x22: {  	[simem:s7], [sflag:s8] =	dma.local @!p0 [hbm:s6], $0xF7A  }
0x23: {  	s9 =	sor.u32 $0xD0000000, s2;
	s6 =	simm.s32 $0x108;
	_ =	swait.ge @!p0 [sflag:s8], $0x0  }
0x24: {  	s3 =	sadd.s32 $0x88, s3;
	s6 =	simm.s32 @!p1 $0x1082;
	[sflag:s4] =	ssyncset.s32 $0xFFFFF086  }
0x25: {  	[simem:s6], [sflag:s4] =	dma.local [hbm:s3], $0xF7A  }
0x26: {  	[smem:$0x3F9E] =	sst s1;
	(tag) =	ssettag s2;
	_ =	strace s9  }
0x27: {  	s1 =	sld [smem:$0x3FAE]  }
0x28: {  	s2 =	sld [smem:$0x3FAF]  }
0x29: {  	s4 =	sld [smem:$0x3FB1]  }
0x2a: {  	p0 =	seq.s32 s5, $0x0;
	s5 =	sld [smem:$0x3FB2]  }
0x2b: {  	s6 =	sld [smem:$0x3FB3]  }
0x2c: {  	s7 =	sld [smem:$0x3FB4]  }
0x2d: {  	s3 =	simm.s32 $0x108;
	s8 =	sld [smem:$0x3FB5]  }
0x2e: {  	s3 =	simm.s32 @!p0 $0x1082;
	s9 =	sld [smem:$0x3FB6]  }
0x2f: {  	lr =	sadd.s32 s0, s3;
	s0 =	sld [smem:$0x3FAD]  }
0x30: {  	s3 =	sld [smem:$0x3FB0]  }
0x31: {  	[smem:$0x3FB9] =	sst s10  }
0x32: {  	s10 =	sld [smem:$0x3FB7];
	_ =	sdelay $0x3  }
0x33: {  	p0 =	seq.s32 s10, $0x1;
	s10 =	sld [smem:$0x3FB9];
	_ =	sdelay $0x3  }
0x34: {  	[smem:$0x3FB9] =	sst s10  }
0x35: {  	s10 =	sld [smem:$0x3FB8];
	_ =	sdelay $0x3  }
0x36: {  	p1 =	seq.s32 s10, $0x1;
	s10 =	sld [smem:$0x3FB9];
	_ =	sdelay $0x3  }
0x37: {  	[smem:$0x3FB9] =	sst s10  }
0x38: {  	s10 =	sld [smem:$0x3FBA]  }
0x39: {  	_ = 	snop;
	(pc) =	sbr.ind lr, $3  }
0x3a: {  	_ = 	snop  }
0x3b: {  	_ = 	snop  }
0x3c: {  	p2 =	seq.s32 s10, $0x1;
	s10 =	sld [smem:$0x3FB9]  }
0x3d: {  	_ =	shalt  }
0x3e: {  	_ =	shalt  }
0x3f: {  	_ =	shalt  }
0x40: {  	_ =	shalt  }
0x41: {  	_ =	shalt  }
0x42: {  	_ =	shalt  }
0x43: {  	_ =	shalt  }
0x44: {  	_ =	shalt  }
0x45: {  	_ =	shalt  }
0x46: {  	_ =	shalt  }
0x47: {  	_ =	shalt  }
0x48: {  	_ =	shalt  }
0x49: {  	_ =	shalt  }
0x4a: {  	_ =	shalt  }
0x4b: {  	_ =	shalt  }
0x4c: {  	_ =	shalt  }
0x4d: {  	_ =	shalt  }
0x4e: {  	_ =	shalt  }
0x4f: {  	_ =	shalt  }
0x50: {  	_ =	shalt  }
0x51: {  	_ =	shalt  }
0x52: {  	_ =	shalt  }
0x53: {  	_ =	shalt  }
0x54: {  	_ =	shalt  }
0x55: {  	_ =	shalt  }
0x56: {  	_ =	shalt  }
0x57: {  	_ =	shalt  }
0x58: {  	_ =	shalt  }
0x59: {  	_ =	shalt  }
0x5a: {  	_ =	shalt  }
0x5b: {  	_ =	shalt  }
0x5c: {  	_ =	shalt  }
0x5d: {  	_ =	shalt  }
0x5e: {  	_ =	shalt  }
0x5f: {  	_ =	shalt  }
0x60: {  	_ =	shalt  }
0x61: {  	_ =	shalt  }
0x62: {  	_ =	shalt  }
0x63: {  	_ =	shalt  }
0x64: {  	_ =	shalt  }
0x65: {  	_ =	shalt  }
0x66: {  	_ =	shalt  }
0x67: {  	_ =	shalt  }
0x68: {  	_ =	shalt  }
0x69: {  	_ =	shalt  }
0x6a: {  	_ =	shalt  }
0x6b: {  	_ =	shalt  }
0x6c: {  	_ =	shalt  }
0x6d: {  	_ =	shalt  }
0x6e: {  	_ =	shalt  }
0x6f: {  	_ =	shalt  }
0x70: {  	_ =	shalt  }
0x71: {  	_ =	shalt  }
0x72: {  	_ =	shalt  }
0x73: {  	_ =	shalt  }
0x74: {  	_ =	shalt  }
0x75: {  	_ =	shalt  }
0x76: {  	_ =	shalt  }
0x77: {  	_ =	shalt  }
0x78: {  	_ =	shalt  }
0x79: {  	_ =	shalt  }
0x7a: {  	_ =	shalt  }
0x7b: {  	_ =	shalt  }
0x7c: {  	_ =	shalt  }
0x7d: {  	_ =	shalt  }
0x7e: {  	_ =	shalt  }
0x7f: {  	_ =	shalt  }
0x80: {  	_ =	shalt  }
0x81: {  	_ =	shalt  }
0x82: {  	_ =	shalt  }
0x83: {  	_ =	shalt  }
0x84: {  	_ =	shalt  }
0x85: {  	_ =	shalt  }
0x86: {  	_ =	shalt  }
0x87: {  	_ =	shalt  }
.Lfunc_end0:
.L_simem_size_0:
called_computation_lowered:
.L_overlay_start_0:
0x88: {  	s2 =	sld [smem:$0x3FD9]  }
0x89: {  	s3 =	sld [smem:$0x3FFE];
	_ =	sdelay $0x1  }
0x8a: {  	s1 =	srdreg.scid  }
0x8b: {  	s0 =	sand.u32 $0x1, s1  }
0x8c: {  	s18 =	sshll.u32 s0, $0xA;
	s2 =	sadd.s32 s3, s2  }
0x8d: {  	s2 =	sadd.s32 s2, s18  }
0x8e: {  	[smem:$0x3FC5] =	sst s2  }
0x8f: {  	_ = 	snop  }
0x90: {  	s2 =	sld [smem:$0x3FC9]  }
0x91: {  	s19 =	sld [smem:$0x3FC8]  }
0x92: {  	s4 =	sld [smem:$0x3FC7]  }
0x93: {  	s5 =	sld [smem:$0x3FD0];
	(tm) =	ssettm $0x1  }
0x94: {  	s6 =	sld [smem:$0x3FFB];
	_ =	sdelay $0x3  }
0x95: {  	_ =	strace s6  }
0x96: {  	s6 =	sld [smem:$0x3FFC];
	_ =	sdelay $0x3  }
0x97: {  	_ =	strace s6  }
0x98: {  	s6 =	sld [smem:$0x3FFD];
	_ =	sdelay $0x3  }
0x99: {  	_ =	strace s6  }
0x9a: {  	_ =	strace $0x8FFFFFFF  }
0x9b: {  	s20 =	sld [smem:$0x3FDB];
	_ =	sdelay $0x1  }
0x9c: {  	s7 =	simm.s32 $_scs_section_size  }
0x9d: {  	s8 =	simm.s32 $_size__tile_overlayer_lowered;
	s9 =	simm.s32 $_tile_overlayer_lowered  }
0x9e: {  	s23 =	simm.s32 $0x1BFF;
	s22 =	sshll.u32 s9, $0x1;
	s6 =	sadd.s32 s7, s20  }
0x9f: {  	s10 =	simm.s32 $0x0;
	s21 =	sshll.u32 s8, $0x1;
	s8 =	sadd.s32 s22, s6  }
0xa0: {  	[timem:s10], [sflag:s23] =	dma.local [hbm:s8], s21  }
0xa1: {  	_ =	swait.ge [sflag:s23], s21  }
0xa2: {  	s7 =	ssub.s32 $0x0, s21;
	[sflag:s23] =	ssyncset.done $0x0  }
0xa3: {  	[sflag:s23] =	ssyncadd.s32 s7;
	_ =	sdelay $0x1  }
0xa4: {  	s24 =	simm.s32 $0x1B8B  }
0xa5: {  	_ =	swait.ge [sflag:s24], $0x1  }
0xa6: {  	[sflag:s24] =	ssyncset.done $0x0  }
0xa7: {  	s25 =	simm.s32 $0x1B8E;
	[sflag:s24] =	ssyncadd.s32 $0xFFFFFFFF  }
0xa8: {  	s26 =	simm.s32 $execute0_lowered;
	[smem:$0x3FD2] =	sst s25  }
0xa9: {  	s7 =	sshll.u32 s26, $0x1;
	_ =	strace $0x80000046;
	[dreg:$0x1] =	wrdreg $0xFFFFFFFF  }
0xaa: {  	s28 =	simm.s32 $_size_execute0_lowered;
	s6 =	sadd.s32 s6, s7;
	[dreg:$0x0] =	wrdreg $0x0  }
0xab: {  	s7 =	sshll.u32 s28, $0x1;
	[dreg:$0x2] =	wrdreg s6  }
0xac: {  	[dreg:$0x3] =	wrdreg s7  }
0xad: {  	[dreg:$0x4] =	wrdreg $0xC0  }
0xae: {  	_ =	task [dreg:s10], $0x5FFFF  }
0xaf: {  	[dreg:$0x1] =	wrdreg $0xFFFFFFFF  }
0xb0: {  	[dreg:$0x0] =	wrdreg $0x60  }
0xb1: {  	[dreg:$0x2] =	wrdreg s2  }
0xb2: {  	[dreg:$0x3] =	wrdreg s19  }
0xb3: {  	[dreg:$0x4] =	wrdreg s4  }
0xb4: {  	[dreg:$0x5] =	wrdreg s5  }
0xb5: {  	[dreg:$0x6] =	wrdreg $0x9  }
0xb6: {  	_ =	task.clear_ibuf [dreg:s10], $0x7FFFF;
	_ =	strace $0x90000046  }
0xb7: {  	s29 =	simm.s32 $0x9;
	_ =	strace $0x80000048  }
0xb8: {  	_ =	swait.ge [sflag:s29], $0x1  }
0xb9: {  	[sflag:s29] =	ssyncadd.s32 $0xFFFFFFFF  }
0xba: {  	_ =	strace $0x90000048  }
0xbb: {  	_ =	sfence  }
0xbc: {  	s30 =	sld [smem:$0x0];
	_ =	sdelay $0x2  }
0xbd: {  	s31 =	sshll.u32 s1, $0xD;
	s1 =	sshrl.u32 s1, $0x2  }
0xbe: {  	s3 =	sand.u32 $0x4000, s31;
	s1 =	sadd.s32 s1, s30  }
0xbf: {  	s0 =	sor.u32 s3, s0;
	s1 =	sshll.u32 s1, $0x11  }
0xc0: {  	s0 =	sor.u32 s1, s0  }
0xc1: {  	s0 =	sadd.s32 $0x8F2B, s0  }
0xc2: {  	[sflag:s0] =	ssyncadd.remote.s32 $0x1  }
0xc3: {  	_ =	sfence.sel $0xFFFF  }
0xc4: {  	[dreg:$0x0] =	wrdreg $0xFFFFFFFF;
	(pc) =	sbr.abs _section_cstart, $3  }
0xc5: {  	[dreg:$0x1] =	wrdreg $0xFFFFFFFF  }
0xc6: {  	_ =	task.clear_ibuf [dreg:s10], $0x2FFFF;
	_ =	strace $0x9FFFFFFF  }
0xc7: {  	(tm) =	ssettm $0x7FFFFFFF  }
tec
execute0_lowered:
.L_overlay_start_1:
0x0: {  	(tag) =	ssettag $0x1  }
0x1: {  	s13 =	rddreg [dreg:$0x0]  }
0x2: {  	s12 =	rddreg [dreg:$0x1]  }
0x3: {  	s1 =	rddreg [dreg:$0x2]  }
0x4: {  	s15 =	rddreg [dreg:$0x3]  }
0x5: {  	s0 =	rddreg [dreg:$0x4];
	s3 =	simm.s32 $0x0;
	s4 =	srdreg.scid  }
0x6: {  	s2 =	stileid.u32;
	s19 =	simm.s32 $0x400;
	s20 =	simm.s32 $0x8800  }
0x7: {  	s21 =	simm.s32 $0x3;
	s22 =	simm.s32 $0xA800;
	s23 =	simm.s32 $0xC800  }
0x8: {  	s24 =	simm.s32 $0xE800;
	s25 =	simm.s32 $0x4;
	s4 =	sand.u32 $0x1, s4  }
0x9: {  	s26 =	simm.s32 $0x0;
	[smem:$0x7FF] =	sst s3;
	s5 =	ssub.s32 $0x2, s4  }
0xa: {  	s6 =	sshll.u32 s2, $0xD;
	s4 =	sshll.u32 s4, $0xC;
	s7 =	sshrl.u32 s5, $0x1  }
0xb: {  	_ =	strace $0x80000047;
	s14 =	sor.u32 s4, s6;
	s16 =	ssub.s32 s5, s7  }
0xc: {  	s4 =	sadd.s32 s12, s14;
	s11 =	sor.u32 $0x400, s14;
	s5 =	sadd.s32 s13, s14  }
0xd: {  	s17 =	sor.u32 $0x800, s14;
	s8 =	sadd.s32 s15, s14;
	s18 =	sor.u32 $0xC00, s14  }
0xe: {  	s6 =	sadd.s32 s12, s11;
	s7 =	sadd.s32 s13, s11;
	s9 =	sadd.s32 s12, s17  }
0xf: {  	s10 =	sadd.s32 s13, s17;
	s11 =	sadd.s32 s15, s11;
	s12 =	sadd.s32 s12, s18  }
0x10: {  	s13 =	sadd.s32 s13, s18;
	s14 =	sadd.s32 s15, s17;
	s15 =	sadd.s32 s15, s18  }
0x11: {  	v0 =	vimm.f32 $0.0e+00;
	s16 =	smax.u32 s16, $0x1;
	s17 =	simm.s32 $0x1;
	s18 =	simm.s32 $0x2  }
.LBB2_1:
0x12: {  	[tilespmem:s3], [sflag:$0x1] =	stream.linear.gather [hbm4b:s1+s3], $0x3E8, $0x38;
	[tilespmem:$0x10800] =	vst v63  }
0x13: {  	s28 =	simm.s32 $0x800  }
0x14: {  	s29 =	simm.s32 $0x10;
	s31 =	sadd.s32 $0x0, s4;
	s30 =	simm.s32 $0x900  }
.LBB2_2:
0x15: {  	[tilespmem:s28], [sflag:$0x2] =	stream.linear.gather [hbm4b:s31+s3], $0x80, $0x38;
	[tilespmem:$0x10800] =	vst v63  }
0x16: {  	s31 =	smov.u32 s29;
	s28 =	smov.u32 s30;
	p0 =	sne.s32 s29, $0x3F0  }
.Ltmp0:
0x17: {  	s29 =	sadd.s32 $0x10, s29;
	(pc) =	sbr.rel @p0 .LBB2_2-.Ltmp0, $2  }
0x18: {  	_ =	sdelay $0x2  }
0x19: {  	s30 =	sadd.s32 $0x100, s30;
	s31 =	sadd.s32 s31, s4  }
0x1a: {  	[tilespmem:s28], [sflag:$0x2] =	stream.linear.gather [hbm4b:s31+s3], $0x80, $0x38;
	[tilespmem:$0x10800] =	vst v63  }
0x1b: {  	s28 =	simm.s32 $0x4800  }
0x1c: {  	s29 =	simm.s32 $0x10;
	s31 =	sadd.s32 $0x0, s5;
	s30 =	simm.s32 $0x4900  }
.LBB2_4:
0x1d: {  	[tilespmem:s28], [sflag:$0x2] =	stream.linear.gather [hbm4b:s31+s3], $0x80, $0x38;
	[tilespmem:$0x10800] =	vst v63  }
0x1e: {  	s31 =	smov.u32 s29;
	s28 =	smov.u32 s30;
	p0 =	sne.s32 s29, $0x3F0  }
.Ltmp1:
0x1f: {  	s29 =	sadd.s32 $0x10, s29;
	(pc) =	sbr.rel @p0 .LBB2_4-.Ltmp1, $2  }
0x20: {  	_ =	sdelay $0x2  }
0x21: {  	s30 =	sadd.s32 $0x100, s30;
	s31 =	sadd.s32 s31, s5  }
0x22: {  	[tilespmem:s28], [sflag:$0x2] =	stream.linear.gather [hbm4b:s31+s3], $0x80, $0x38;
	[tilespmem:$0x10800] =	vst v63  }
0x23: {  	_ =	swait.ge [sflag:s17], $0x3E8  }
0x24: {  	[sflag:s17] =	ssyncset.done $0x0  }
0x25: {  	s28 =	simm.s32 $0x20;
	[sflag:s17] =	ssyncadd.s32 $0xFFFFFC18  }
0x26: {  	v7 =	vld [tilespmem:s28+$0x10]  }
0x27: {  	v8 =	vld [tilespmem:s28+$0xFFFFFFF0]  }
0x28: {  	v9 =	vld [tilespmem:s28+$0x0];
	_ =	sdelay $0x1  }
0x29: {  	v11 =	vld [tilespmem:s28+$0xFFFFFFE0]  }
0x2a: {  	v1 =	vsub.f32 $2.000000000e+00, v7  }
0x2b: {  	s28 =	simm.s32 $0x60;
	v2 =	vsub.f32 $2.000000000e+00, v8  }
0x2c: {  	v3 =	vld [tilespmem:s28+$0xFFFFFFF0];
	v5 =	vsub.f32 $2.000000000e+00, v9;
	(erf) = vrcp.f32 v1  }
0x2d: {  	v4 =	vld [tilespmem:s28+$0x10];
	(erf) = vrcp.f32 v2  }
0x2e: {  	v1 =	vsub.f32 $2.000000000e+00, v11;
	(erf) = vrcp.f32 v5  }
0x2f: {  	v2 =	vld [tilespmem:s28+$0x0]  }
0x30: {  	(erf) = vrcp.f32 v1;
	v1 =	vld [tilespmem:s28+$0xFFFFFFE0]  }
0x31: {  	v10 =	vsub.f32 $2.000000000e+00, v3  }
0x32: {  	v5 =	vsub.f32 $2.000000000e+00, v4;
	_ =	sdelay $0x1  }
0x33: {  	s30 =	simm.s32 $0xA0;
	(erf) = vrcp.f32 v5;
	v12 =	vsub.f32 $2.000000000e+00, v2  }
0x34: {  	v6 =	vld [tilespmem:s30+$0x10];
	(erf) = vrcp.f32 v10;
	v13 =	vsub.f32 $2.000000000e+00, v1;
	v10 =	vpop (erf)  }
0x35: {  	v5 =	vld [tilespmem:s30+$0xFFFFFFF0];
	(erf) = vrcp.f32 v12;
	v7 =	vmul.f32 v10, v7;
	v10 =	vpop (erf)  }
0x36: {  	(erf) = vrcp.f32 v13;
	v12 =	vmul.f32 v10, v8;
	v10 =	vpop (erf);
	v8 =	vld [tilespmem:s30+$0x0]  }
0x37: {  	v9 =	vmul.f32 v10, v9;
	v10 =	vmul.f32 $9.499999880e-01, v7;
	v7 =	vld [tilespmem:s30+$0xFFFFFFE0];
	_ =	sdelay $0x1  }
0x38: {  	v13 =	vsub.f32 $2.000000000e+00, v6;
	v15 =	vpop (erf)  }
0x39: {  	s29 =	simm.s32 $0x80;
	s28 =	simm.s32 $0x420;
	v14 =	vsub.f32 $2.000000000e+00, v5;
	s30 =	simm.s32 $0xE0;
	v11 =	vmul.f32 v15, v11;
	v12 =	vmul.f32 $9.499999880e-01, v12  }
.LBB2_6:
0x3a: {  	v15 =	vld [tilespmem:s30+$0x10];
	s29 =	sadd.s32 $0x40, s29;
	v16 =	vsub.f32 $2.000000000e+00, v8;
	(erf) = vrcp.f32 v13;
	v18 =	vmul.f32 $9.499999880e-01, v9;
	[tilespmem:s28+$0x10] =	vst v10;
	v10 =	vmovc v2;
	v2 =	vmovc v8  }
0x3b: {  	v17 =	vld [tilespmem:s30+$0xFFFFFFF0];
	p0 =	slt.u32 s29, $0x3C0;
	v13 =	vsub.f32 $2.000000000e+00, v7;
	(erf) = vrcp.f32 v14;
	v11 =	vmul.f32 $9.499999880e-01, v11;
	[tilespmem:s28+$0xFFFFFFF0] =	vst v12;
	v12 =	vmovc v1;
	v1 =	vmovc v7  }
.Ltmp2:
0x3c: {  	v8 =	vld [tilespmem:s30+$0x0];
	(erf) = vrcp.f32 v16;
	v14 =	vpop (erf);
	[tilespmem:s28+$0x0] =	vst v18;
	(pc) =	sbr.rel @p0 .LBB2_6-.Ltmp2, $4  }
0x3d: {  	v7 =	vld [tilespmem:s30+$0xFFFFFFE0];
	(erf) = vrcp.f32 v13;
	v14 =	vmul.f32 v14, v4;
	v9 =	vpop (erf);
	[tilespmem:s28+$0xFFFFFFE0] =	vst v11;
	v4 =	vmov v6  }
0x3e: {  	v16 =	vmul.f32 v9, v3;
	v9 =	vpop (erf);
	v3 =	vmov v5  }
0x3f: {  	v13 =	vsub.f32 $2.000000000e+00, v15;
	v9 =	vmul.f32 v9, v10;
	v10 =	vmul.f32 $9.499999880e-01, v14;
	v5 =	vpop (erf)  }
0x40: {  	s30 =	sadd.s32 $0x40, s30;
	s28 =	sadd.s32 $0x40, s28;
	v6 =	vmovc v15;
	v14 =	vsub.f32 $2.000000000e+00, v17;
	v11 =	vmul.f32 v5, v12;
	v12 =	vmul.f32 $9.499999880e-01, v16;
	v5 =	vmovc v17  }
0x41: {  	v15 =	vsub.f32 $2.000000000e+00, v8;
	(erf) = vrcp.f32 v13  }
0x42: {  	v54 =	vsub.f32 $2.000000000e+00, v7;
	(erf) = vrcp.f32 v14  }
0x43: {  	(erf) = vrcp.f32 v15  }
0x44: {  	(erf) = vrcp.f32 v54;
	_ =	sdelay $0x1  }
0x45: {  	v55 =	vpop (erf)  }
0x46: {  	v9 =	vmul.f32 $9.499999880e-01, v9;
	[tilespmem:s28+$0x10] =	vst v10;
	v4 =	vmul.f32 v55, v4;
	v56 =	vpop (erf)  }
0x47: {  	v11 =	vmul.f32 $9.499999880e-01, v11;
	[tilespmem:s28+$0xFFFFFFF0] =	vst v12;
	v3 =	vmul.f32 v56, v3;
	v57 =	vpop (erf)  }
0x48: {  	[tilespmem:s28+$0x0] =	vst v9;
	v2 =	vmul.f32 v57, v2;
	v4 =	vmul.f32 $9.499999880e-01, v4;
	v58 =	vpop (erf)  }
0x49: {  	[tilespmem:s28+$0xFFFFFFE0] =	vst v11;
	s28 =	sadd.s32 $0x40, s28;
	v1 =	vmul.f32 v58, v1;
	v3 =	vmul.f32 $9.499999880e-01, v3;
	v59 =	vpop (erf)  }
0x4a: {  	v2 =	vmul.f32 $9.499999880e-01, v2;
	[tilespmem:s28+$0x10] =	vst v4;
	v60 =	vmul.f32 v59, v6;
	v61 =	vpop (erf)  }
0x4b: {  	v1 =	vmul.f32 $9.499999880e-01, v1;
	[tilespmem:s28+$0xFFFFFFF0] =	vst v3;
	v3 =	vmul.f32 v61, v5;
	v62 =	vpop (erf)  }
0x4c: {  	[tilespmem:s28+$0x0] =	vst v2;
	v2 =	vmul.f32 v62, v8;
	v4 =	vmul.f32 $9.499999880e-01, v60;
	v63 =	vpop (erf)  }
0x4d: {  	[tilespmem:s28+$0xFFFFFFE0] =	vst v1;
	s28 =	sadd.s32 $0x40, s28;
	v1 =	vmul.f32 v63, v7;
	v3 =	vmul.f32 $9.499999880e-01, v3  }
0x4e: {  	v2 =	vmul.f32 $9.499999880e-01, v2;
	[tilespmem:s28+$0x10] =	vst v4  }
0x4f: {  	v1 =	vmul.f32 $9.499999880e-01, v1;
	[tilespmem:s28+$0xFFFFFFF0] =	vst v3  }
0x50: {  	[tilespmem:s28+$0x0] =	vst v2  }
0x51: {  	[tilespmem:s28+$0xFFFFFFE0] =	vst v1  }
0x52: {  	_ =	swait.ge [sflag:s18], $0x2000  }
0x53: {  	[sflag:s18] =	ssyncset.done $0x0  }
0x54: {  	[sflag:s18] =	ssyncadd.s32 $0xFFFFE000  }
0x55: {  	_ =	swait.ge [sflag:s18], $0x2000  }
0x56: {  	s29 =	simm.s32 $0x10;
	s31 =	sadd.s32 $0x0, s6;
	[sflag:s18] =	ssyncset.done $0x0  }
0x57: {  	s30 =	simm.s32 $0x980;
	s28 =	simm.s32 $0x880;
	[sflag:s18] =	ssyncadd.s32 $0xFFFFE000  }
.LBB2_8:
0x58: {  	[tilespmem:s28], [sflag:$0x3] =	stream.linear.gather [hbm4b:s31+s3], $0x80, $0x38;
	[tilespmem:$0x10800] =	vst v63  }
0x59: {  	s31 =	smov.u32 s29;
	s28 =	smov.u32 s30;
	p0 =	sne.s32 s29, $0x3F0  }
.Ltmp3:
0x5a: {  	s29 =	sadd.s32 $0x10, s29;
	(pc) =	sbr.rel @p0 .LBB2_8-.Ltmp3, $2  }
0x5b: {  	_ =	sdelay $0x2  }
0x5c: {  	s30 =	sadd.s32 $0x100, s30;
	s31 =	sadd.s32 s31, s6  }
0x5d: {  	[tilespmem:s28], [sflag:$0x3] =	stream.linear.gather [hbm4b:s31+s3], $0x80, $0x38;
	[tilespmem:$0x10800] =	vst v63  }
0x5e: {  	s28 =	simm.s32 $0x0;
	s29 =	simm.s32 $0x4880  }
.LBB2_10:
0x5f: {  	p0 =	sne.s32 s28, $0x3F0  }
.Ltmp4:
0x60: {  	_ = 	snop;
	(pc) =	sbr.rel @p0 .LBB2_10-.Ltmp4, $4  }
0x61: {  	_ = 	snop  }
0x62: {  	s30 =	sadd.s32 s28, s7  }
0x63: {  	[tilespmem:s29], [sflag:$0x3] =	stream.linear.gather [hbm4b:s30+s3], $0x80, $0x38;
	[tilespmem:$0x10800] =	vst v63  }
0x64: {  	s28 =	sadd.s32 $0x10, s28;
	s29 =	sadd.s32 $0x100, s29  }
0x65: {  	s28 =	simm.s32 $0x840  }
0x66: {  	v1 =	vld [tilespmem:s28+$0x30]  }
0x67: {  	v2 =	vld [tilespmem:s28+$0xFFFFFFD0]  }
0x68: {  	v3 =	vld [tilespmem:s28+$0xFFFFFFE0]  }
0x69: {  	v4 =	vld [tilespmem:s28+$0xFFFFFFF0]  }
0x6a: {  	v6 =	vld [tilespmem:s28+$0x0]  }
0x6b: {  	v7 =	vld [tilespmem:s28+$0x10]  }
0x6c: {  	v8 =	vld [tilespmem:s28+$0x20]  }
0x6d: {  	s29 =	simm.s32 $0x4840;
	v9 =	vld [tilespmem:s28+$0xFFFFFFC0]  }
0x6e: {  	v12 =	vld [tilespmem:s29+$0x30]  }
0x6f: {  	v14 =	vld [tilespmem:s29+$0xFFFFFFD0]  }
0x70: {  	v10 =	vld [tilespmem:s29+$0xFFFFFFE0]  }
0x71: {  	v11 =	vld.idx.msk [tilespmem:v1+s19+$0x0], $0xffff  }
0x72: {  	v13 =	vld.idx.msk [tilespmem:v2+s19+$0x0], $0xffff  }
0x73: {  	v5 =	vld.idx.msk [tilespmem:v3+s19+$0x0], $0xffff  }
0x74: {  	v3 =	vld.idx.msk [tilespmem:v6+s19+$0x0], $0xffff  }
0x75: {  	v6 =	vld.idx.msk [tilespmem:v9+s19+$0x0], $0xffff  }
0x76: {  	v2 =	vld.idx.msk [tilespmem:v8+s19+$0x0], $0xffff  }
0x77: {  	v8 =	vld [tilespmem:s29+$0xFFFFFFC0]  }
0x78: {  	v4 =	vld.idx.msk [tilespmem:v4+s19+$0x0], $0xffff  }
0x79: {  	v1 =	vld.idx.msk [tilespmem:v7+s19+$0x0], $0xffff  }
0x7a: {  	v9 =	vld [tilespmem:s29+$0xFFFFFFF0]  }
0x7b: {  	v7 =	vld [tilespmem:s29+$0x0];
	vm0 =	vge.f32 v12, v11  }
0x7c: {  	s28 =	simm.s32 $0x8840;
	v11 =	vsel vm0, $0x3F800000, v0;
	vm0 =	vge.f32 v8, v6;
	v6 =	vld [tilespmem:s29+$0x10]  }
0x7d: {  	s30 =	simm.s32 $0x0;
	s31 =	simm.s32 $0x940;
	v8 =	vld [tilespmem:s29+$0x20];
	[tilespmem:s28+$0x30] =	vst v11;
	v11 =	vsel vm0, $0x3F800000, v0;
	vm0 =	vge.f32 v14, v13  }
.LBB2_12:
0x7e: {  	v12 =	vld [tilespmem:s31+$0x30];
	s30 =	sadd.s32 $0x80, s30;
	[tilespmem:s28+$0xFFFFFFC0] =	vst v11;
	v11 =	vsel vm0, $0x3F800000, v0;
	vm0 =	vge.f32 v10, v5  }
0x7f: {  	v5 =	vld [tilespmem:s31+$0xFFFFFFD0];
	p0 =	slt.u32 s30, $0x1F80;
	[tilespmem:s28+$0xFFFFFFD0] =	vst v11;
	v10 =	vsel vm0, $0x3F800000, v0;
	vm0 =	vge.f32 v9, v4  }
0x80: {  	v4 =	vld [tilespmem:s31+$0xFFFFFFE0];
	[tilespmem:s28+$0xFFFFFFE0] =	vst v10;
	v9 =	vsel vm0, $0x3F800000, v0;
	vm0 =	vge.f32 v7, v3  }
0x81: {  	v3 =	vld [tilespmem:s31+$0xFFFFFFF0];
	[tilespmem:s28+$0xFFFFFFF0] =	vst v9;
	v7 =	vsel vm0, $0x3F800000, v0;
	vm0 =	vge.f32 v6, v1  }
0x82: {  	v1 =	vld [tilespmem:s31+$0x0];
	[tilespmem:s28+$0x0] =	vst v7;
	v6 =	vsel vm0, $0x3F800000, v0;
	vm0 =	vge.f32 v8, v2  }
0x83: {  	v2 =	vld [tilespmem:s31+$0x10];
	[tilespmem:s28+$0x10] =	vst v6;
	v6 =	vsel vm0, $0x3F800000, v0  }
0x84: {  	v7 =	vld [tilespmem:s31+$0x20];
	[tilespmem:s28+$0x20] =	vst v6  }
0x85: {  	v6 =	vld [tilespmem:s31+$0xFFFFFFC0]  }
0x86: {  	s29 =	sadd.s32 $0x100, s29;
	v8 =	vld.idx.msk [tilespmem:v12+s19+$0x0], $0xffff  }
0x87: {  	v9 =	vld [tilespmem:s29+$0x30]  }
0x88: {  	v12 =	vld.idx.msk [tilespmem:v5+s19+$0x0], $0xffff  }
0x89: {  	v5 =	vld.idx.msk [tilespmem:v4+s19+$0x0], $0xffff  }
0x8a: {  	v4 =	vld.idx.msk [tilespmem:v3+s19+$0x0], $0xffff  }
0x8b: {  	v3 =	vld.idx.msk [tilespmem:v1+s19+$0x0], $0xffff  }
0x8c: {  	v1 =	vld.idx.msk [tilespmem:v2+s19+$0x0], $0xffff;
	vm0 =	vge.f32 v9, v8  }
0x8d: {  	s28 =	sadd.s32 $0x80, s28;
	v6 =	vld.idx.msk [tilespmem:v6+s19+$0x0], $0xffff;
	v8 =	vsel vm0, $0x3F800000, v0  }
0x8e: {  	v2 =	vld.idx.msk [tilespmem:v7+s19+$0x0], $0xffff;
	[tilespmem:s28+$0x30] =	vst v8  }
0x8f: {  	v8 =	vld [tilespmem:s29+$0xFFFFFFC0]  }
0x90: {  	v13 =	vld [tilespmem:s29+$0xFFFFFFD0]  }
.Ltmp5:
0x91: {  	v10 =	vld [tilespmem:s29+$0xFFFFFFE0];
	(pc) =	sbr.rel @p0 .LBB2_12-.Ltmp5, $4  }
0x92: {  	v9 =	vld [tilespmem:s29+$0xFFFFFFF0]  }
0x93: {  	v7 =	vld [tilespmem:s29+$0x0]  }
0x94: {  	vm0 =	vge.f32 v8, v6;
	v6 =	vld [tilespmem:s29+$0x10]  }
0x95: {  	s31 =	sadd.s32 $0x100, s31;
	v11 =	vsel vm0, $0x3F800000, v0;
	vm0 =	vge.f32 v13, v12;
	v8 =	vld [tilespmem:s29+$0x20]  }
0x96: {  	[tilespmem:s28+$0xFFFFFFC0] =	vst v11;
	v63 =	vsel vm0, $0x3F800000, v0;
	vm11 =	vge.f32 v10, v5  }
0x97: {  	[tilespmem:s28+$0xFFFFFFD0] =	vst v63;
	v5 =	vsel vm11, $0x3F800000, v0;
	vm12 =	vge.f32 v9, v4  }
0x98: {  	[tilespmem:s28+$0xFFFFFFE0] =	vst v5;
	v4 =	vsel vm12, $0x3F800000, v0;
	vm13 =	vge.f32 v7, v3  }
0x99: {  	[tilespmem:s28+$0xFFFFFFF0] =	vst v4;
	v3 =	vsel vm13, $0x3F800000, v0;
	vm14 =	vge.f32 v6, v1  }
0x9a: {  	[tilespmem:s28+$0x0] =	vst v3;
	v1 =	vsel vm14, $0x3F800000, v0;
	vm15 =	vge.f32 v8, v2  }
0x9b: {  	[tilespmem:s28+$0x10] =	vst v1;
	v1 =	vsel vm15, $0x3F800000, v0  }
0x9c: {  	[tilespmem:s28+$0x20] =	vst v1;
	s28 =	simm.s32 $0x0  }
0x9d: {  	[hbm4b:s8+s28] =	stream.linear.scatter [tilespmem:s20], [sflag:$0x4], $0x2000, $0x38;
	[tilespmem:$0x10800] =	vst v63  }
0x9e: {  	_ =	swait.ge [sflag:s21], $0x2000  }
0x9f: {  	[sflag:s21] =	ssyncset.done $0x0  }
0xa0: {  	[sflag:s21] =	ssyncadd.s32 $0xFFFFE000  }
0xa1: {  	_ =	swait.ge [sflag:s21], $0x2000  }
0xa2: {  	s29 =	simm.s32 $0x10;
	s31 =	sadd.s32 $0x0, s9;
	[sflag:s21] =	ssyncset.done $0x0  }
0xa3: {  	s30 =	simm.s32 $0x900;
	s28 =	simm.s32 $0x800;
	[sflag:s21] =	ssyncadd.s32 $0xFFFFE000  }
.LBB2_14:
0xa4: {  	[tilespmem:s28], [sflag:$0x2] =	stream.linear.gather [hbm4b:s31+s3], $0x80, $0x38;
	[tilespmem:$0x10800] =	vst v63  }
0xa5: {  	s31 =	smov.u32 s29;
	s28 =	smov.u32 s30;
	p0 =	sne.s32 s29, $0x3F0  }
.Ltmp6:
0xa6: {  	s29 =	sadd.s32 $0x10, s29;
	(pc) =	sbr.rel @p0 .LBB2_14-.Ltmp6, $2  }
0xa7: {  	_ =	sdelay $0x2  }
0xa8: {  	s30 =	sadd.s32 $0x100, s30;
	s31 =	sadd.s32 s31, s9  }
0xa9: {  	[tilespmem:s28], [sflag:$0x2] =	stream.linear.gather [hbm4b:s31+s3], $0x80, $0x38;
	[tilespmem:$0x10800] =	vst v63  }
0xaa: {  	s28 =	simm.s32 $0x0;
	s29 =	simm.s32 $0x4800  }
.LBB2_16:
0xab: {  	p0 =	sne.s32 s28, $0x3F0  }
.Ltmp7:
0xac: {  	_ = 	snop;
	(pc) =	sbr.rel @p0 .LBB2_16-.Ltmp7, $4  }
0xad: {  	_ = 	snop  }
0xae: {  	s30 =	sadd.s32 s28, s10  }
0xaf: {  	[tilespmem:s29], [sflag:$0x2] =	stream.linear.gather [hbm4b:s30+s3], $0x80, $0x38;
	[tilespmem:$0x10800] =	vst v63  }
0xb0: {  	s28 =	sadd.s32 $0x10, s28;
	s29 =	sadd.s32 $0x100, s29  }
0xb1: {  	s28 =	simm.s32 $0x8F0  }
0xb2: {  	v1 =	vld [tilespmem:s28+$0x0]  }
0xb3: {  	v2 =	vld [tilespmem:s28+$0xFFFFFFA0]  }
0xb4: {  	v3 =	vld [tilespmem:s28+$0xFFFFFFB0]  }
0xb5: {  	v4 =	vld [tilespmem:s28+$0xFFFFFFC0]  }
0xb6: {  	v6 =	vld [tilespmem:s28+$0xFFFFFFD0]  }
0xb7: {  	v7 =	vld [tilespmem:s28+$0xFFFFFFE0]  }
0xb8: {  	v8 =	vld [tilespmem:s28+$0xFFFFFFF0]  }
0xb9: {  	s29 =	simm.s32 $0x48F0;
	v9 =	vld [tilespmem:s28+$0xFFFFFF90]  }
0xba: {  	v12 =	vld [tilespmem:s29+$0x0]  }
0xbb: {  	v14 =	vld [tilespmem:s29+$0xFFFFFFA0]  }
0xbc: {  	v10 =	vld [tilespmem:s29+$0xFFFFFFB0]  }
0xbd: {  	v11 =	vld.idx.msk [tilespmem:v1+s19+$0x0], $0xffff  }
0xbe: {  	v13 =	vld.idx.msk [tilespmem:v2+s19+$0x0], $0xffff  }
0xbf: {  	v5 =	vld.idx.msk [tilespmem:v3+s19+$0x0], $0xffff  }
0xc0: {  	v3 =	vld.idx.msk [tilespmem:v6+s19+$0x0], $0xffff  }
0xc1: {  	v6 =	vld.idx.msk [tilespmem:v9+s19+$0x0], $0xffff  }
0xc2: {  	v2 =	vld.idx.msk [tilespmem:v8+s19+$0x0], $0xffff  }
0xc3: {  	v8 =	vld [tilespmem:s29+$0xFFFFFF90]  }
0xc4: {  	v4 =	vld.idx.msk [tilespmem:v4+s19+$0x0], $0xffff  }
0xc5: {  	v1 =	vld.idx.msk [tilespmem:v7+s19+$0x0], $0xffff  }
0xc6: {  	v9 =	vld [tilespmem:s29+$0xFFFFFFC0]  }
0xc7: {  	v7 =	vld [tilespmem:s29+$0xFFFFFFD0];
	vm0 =	vge.f32 v12, v11  }
0xc8: {  	s28 =	simm.s32 $0xA870;
	v11 =	vsel vm0, $0x3F800000, v0;
	vm0 =	vge.f32 v8, v6;
	v6 =	vld [tilespmem:s29+$0xFFFFFFE0]  }
0xc9: {  	s30 =	simm.s32 $0x0;
	s31 =	simm.s32 $0x9F0;
	v8 =	vld [tilespmem:s29+$0xFFFFFFF0];
	[tilespmem:s28+$0x0] =	vst v11;
	v11 =	vsel vm0, $0x3F800000, v0;
	vm0 =	vge.f32 v14, v13  }
.LBB2_18:
0xca: {  	v12 =	vld [tilespmem:s31+$0x0];
	s30 =	sadd.s32 $0x80, s30;
	[tilespmem:s28+$0xFFFFFF90] =	vst v11;
	v11 =	vsel vm0, $0x3F800000, v0;
	vm0 =	vge.f32 v10, v5  }
0xcb: {  	v5 =	vld [tilespmem:s31+$0xFFFFFFA0];
	p0 =	slt.u32 s30, $0x1F80;
	[tilespmem:s28+$0xFFFFFFA0] =	vst v11;
	v10 =	vsel vm0, $0x3F800000, v0;
	vm0 =	vge.f32 v9, v4  }
0xcc: {  	v4 =	vld [tilespmem:s31+$0xFFFFFFB0];
	[tilespmem:s28+$0xFFFFFFB0] =	vst v10;
	v9 =	vsel vm0, $0x3F800000, v0;
	vm0 =	vge.f32 v7, v3  }
0xcd: {  	v3 =	vld [tilespmem:s31+$0xFFFFFFC0];
	[tilespmem:s28+$0xFFFFFFC0] =	vst v9;
	v7 =	vsel vm0, $0x3F800000, v0;
	vm0 =	vge.f32 v6, v1  }
0xce: {  	v1 =	vld [tilespmem:s31+$0xFFFFFFD0];
	[tilespmem:s28+$0xFFFFFFD0] =	vst v7;
	v6 =	vsel vm0, $0x3F800000, v0;
	vm0 =	vge.f32 v8, v2  }
0xcf: {  	v2 =	vld [tilespmem:s31+$0xFFFFFFE0];
	[tilespmem:s28+$0xFFFFFFE0] =	vst v6;
	v6 =	vsel vm0, $0x3F800000, v0  }
0xd0: {  	v7 =	vld [tilespmem:s31+$0xFFFFFFF0];
	[tilespmem:s28+$0xFFFFFFF0] =	vst v6  }
0xd1: {  	v6 =	vld [tilespmem:s31+$0xFFFFFF90]  }
0xd2: {  	s29 =	sadd.s32 $0x100, s29;
	v8 =	vld.idx.msk [tilespmem:v12+s19+$0x0], $0xffff  }
0xd3: {  	v9 =	vld [tilespmem:s29+$0x0]  }
0xd4: {  	v12 =	vld.idx.msk [tilespmem:v5+s19+$0x0], $0xffff  }
0xd5: {  	v5 =	vld.idx.msk [tilespmem:v4+s19+$0x0], $0xffff  }
0xd6: {  	v4 =	vld.idx.msk [tilespmem:v3+s19+$0x0], $0xffff  }
0xd7: {  	v3 =	vld.idx.msk [tilespmem:v1+s19+$0x0], $0xffff  }
0xd8: {  	v1 =	vld.idx.msk [tilespmem:v2+s19+$0x0], $0xffff;
	vm0 =	vge.f32 v9, v8  }
0xd9: {  	s28 =	sadd.s32 $0x80, s28;
	v6 =	vld.idx.msk [tilespmem:v6+s19+$0x0], $0xffff;
	v8 =	vsel vm0, $0x3F800000, v0  }
0xda: {  	v2 =	vld.idx.msk [tilespmem:v7+s19+$0x0], $0xffff;
	[tilespmem:s28+$0x0] =	vst v8  }
0xdb: {  	v8 =	vld [tilespmem:s29+$0xFFFFFF90]  }
0xdc: {  	v13 =	vld [tilespmem:s29+$0xFFFFFFA0]  }
.Ltmp8:
0xdd: {  	v10 =	vld [tilespmem:s29+$0xFFFFFFB0];
	(pc) =	sbr.rel @p0 .LBB2_18-.Ltmp8, $4  }
0xde: {  	v9 =	vld [tilespmem:s29+$0xFFFFFFC0]  }
0xdf: {  	v7 =	vld [tilespmem:s29+$0xFFFFFFD0]  }
0xe0: {  	vm0 =	vge.f32 v8, v6;
	v6 =	vld [tilespmem:s29+$0xFFFFFFE0]  }
0xe1: {  	s31 =	sadd.s32 $0x100, s31;
	v11 =	vsel vm0, $0x3F800000, v0;
	vm0 =	vge.f32 v13, v12;
	v8 =	vld [tilespmem:s29+$0xFFFFFFF0]  }
0xe2: {  	[tilespmem:s28+$0xFFFFFF90] =	vst v11;
	v63 =	vsel vm0, $0x3F800000, v0;
	vm11 =	vge.f32 v10, v5  }
0xe3: {  	[tilespmem:s28+$0xFFFFFFA0] =	vst v63;
	v5 =	vsel vm11, $0x3F800000, v0;
	vm12 =	vge.f32 v9, v4  }
0xe4: {  	[tilespmem:s28+$0xFFFFFFB0] =	vst v5;
	v4 =	vsel vm12, $0x3F800000, v0;
	vm13 =	vge.f32 v7, v3  }
0xe5: {  	[tilespmem:s28+$0xFFFFFFC0] =	vst v4;
	v3 =	vsel vm13, $0x3F800000, v0;
	vm14 =	vge.f32 v6, v1  }
0xe6: {  	[tilespmem:s28+$0xFFFFFFD0] =	vst v3;
	v1 =	vsel vm14, $0x3F800000, v0;
	vm15 =	vge.f32 v8, v2  }
0xe7: {  	[tilespmem:s28+$0xFFFFFFE0] =	vst v1;
	v1 =	vsel vm15, $0x3F800000, v0  }
0xe8: {  	[tilespmem:s28+$0xFFFFFFF0] =	vst v1;
	s28 =	simm.s32 $0x0  }
0xe9: {  	[hbm4b:s11+s28] =	stream.linear.scatter [tilespmem:s22], [sflag:$0x4], $0x2000, $0x38;
	[tilespmem:$0x10800] =	vst v63  }
0xea: {  	_ =	swait.ge [sflag:s18], $0x2000  }
0xeb: {  	[sflag:s18] =	ssyncset.done $0x0  }
0xec: {  	[sflag:s18] =	ssyncadd.s32 $0xFFFFE000  }
0xed: {  	_ =	swait.ge [sflag:s18], $0x2000  }
0xee: {  	s29 =	simm.s32 $0x10;
	s31 =	sadd.s32 $0x0, s12;
	[sflag:s18] =	ssyncset.done $0x0  }
0xef: {  	s30 =	simm.s32 $0x980;
	s28 =	simm.s32 $0x880;
	[sflag:s18] =	ssyncadd.s32 $0xFFFFE000  }
.LBB2_20:
0xf0: {  	[tilespmem:s28], [sflag:$0x3] =	stream.linear.gather [hbm4b:s31+s3], $0x80, $0x38;
	[tilespmem:$0x10800] =	vst v63  }
0xf1: {  	s31 =	smov.u32 s29;
	s28 =	smov.u32 s30;
	p0 =	sne.s32 s29, $0x3F0  }
.Ltmp9:
0xf2: {  	s29 =	sadd.s32 $0x10, s29;
	(pc) =	sbr.rel @p0 .LBB2_20-.Ltmp9, $2  }
0xf3: {  	_ =	sdelay $0x2  }
0xf4: {  	s30 =	sadd.s32 $0x100, s30;
	s31 =	sadd.s32 s31, s12  }
0xf5: {  	[tilespmem:s28], [sflag:$0x3] =	stream.linear.gather [hbm4b:s31+s3], $0x80, $0x38;
	[tilespmem:$0x10800] =	vst v63  }
0xf6: {  	s28 =	simm.s32 $0x0;
	s29 =	simm.s32 $0x4880  }
.LBB2_22:
0xf7: {  	p0 =	sne.s32 s28, $0x3F0  }
.Ltmp10:
0xf8: {  	_ = 	snop;
	(pc) =	sbr.rel @p0 .LBB2_22-.Ltmp10, $4  }
0xf9: {  	_ = 	snop  }
0xfa: {  	s30 =	sadd.s32 s28, s13  }
0xfb: {  	[tilespmem:s29], [sflag:$0x3] =	stream.linear.gather [hbm4b:s30+s3], $0x80, $0x38;
	[tilespmem:$0x10800] =	vst v63  }
0xfc: {  	s28 =	sadd.s32 $0x10, s28;
	s29 =	sadd.s32 $0x100, s29  }
0xfd: {  	s28 =	simm.s32 $0x840  }
0xfe: {  	v1 =	vld [tilespmem:s28+$0x30]  }
0xff: {  	v2 =	vld [tilespmem:s28+$0xFFFFFFD0]  }
0x100: {  	v3 =	vld [tilespmem:s28+$0xFFFFFFE0]  }
0x101: {  	v4 =	vld [tilespmem:s28+$0xFFFFFFF0]  }
0x102: {  	v6 =	vld [tilespmem:s28+$0x0]  }
0x103: {  	v7 =	vld [tilespmem:s28+$0x10]  }
0x104: {  	v8 =	vld [tilespmem:s28+$0x20]  }
0x105: {  	s29 =	simm.s32 $0x4840;
	v9 =	vld [tilespmem:s28+$0xFFFFFFC0]  }
0x106: {  	v12 =	vld [tilespmem:s29+$0x30]  }
0x107: {  	v14 =	vld [tilespmem:s29+$0xFFFFFFD0]  }
0x108: {  	v10 =	vld [tilespmem:s29+$0xFFFFFFE0]  }
0x109: {  	v11 =	vld.idx.msk [tilespmem:v1+s19+$0x0], $0xffff  }
0x10a: {  	v13 =	vld.idx.msk [tilespmem:v2+s19+$0x0], $0xffff  }
0x10b: {  	v5 =	vld.idx.msk [tilespmem:v3+s19+$0x0], $0xffff  }
0x10c: {  	v3 =	vld.idx.msk [tilespmem:v6+s19+$0x0], $0xffff  }
0x10d: {  	v6 =	vld.idx.msk [tilespmem:v9+s19+$0x0], $0xffff  }
0x10e: {  	v2 =	vld.idx.msk [tilespmem:v8+s19+$0x0], $0xffff  }
0x10f: {  	v8 =	vld [tilespmem:s29+$0xFFFFFFC0]  }
0x110: {  	v4 =	vld.idx.msk [tilespmem:v4+s19+$0x0], $0xffff  }
0x111: {  	v1 =	vld.idx.msk [tilespmem:v7+s19+$0x0], $0xffff  }
0x112: {  	v9 =	vld [tilespmem:s29+$0xFFFFFFF0]  }
0x113: {  	v7 =	vld [tilespmem:s29+$0x0];
	vm0 =	vge.f32 v12, v11  }
0x114: {  	s28 =	simm.s32 $0xC870;
	v11 =	vsel vm0, $0x3F800000, v0;
	vm0 =	vge.f32 v8, v6;
	v6 =	vld [tilespmem:s29+$0x10]  }
0x115: {  	s30 =	simm.s32 $0x0;
	s31 =	simm.s32 $0x940;
	v8 =	vld [tilespmem:s29+$0x20];
	[tilespmem:s28+$0x0] =	vst v11;
	v11 =	vsel vm0, $0x3F800000, v0;
	vm0 =	vge.f32 v14, v13  }
.LBB2_24:
0x116: {  	v12 =	vld [tilespmem:s31+$0x30];
	s30 =	sadd.s32 $0x80, s30;
	[tilespmem:s28+$0xFFFFFF90] =	vst v11;
	v11 =	vsel vm0, $0x3F800000, v0;
	vm0 =	vge.f32 v10, v5  }
0x117: {  	v5 =	vld [tilespmem:s31+$0xFFFFFFD0];
	p0 =	slt.u32 s30, $0x1F80;
	[tilespmem:s28+$0xFFFFFFA0] =	vst v11;
	v10 =	vsel vm0, $0x3F800000, v0;
	vm0 =	vge.f32 v9, v4  }
0x118: {  	v4 =	vld [tilespmem:s31+$0xFFFFFFE0];
	[tilespmem:s28+$0xFFFFFFB0] =	vst v10;
	v9 =	vsel vm0, $0x3F800000, v0;
	vm0 =	vge.f32 v7, v3  }
0x119: {  	v3 =	vld [tilespmem:s31+$0xFFFFFFF0];
	[tilespmem:s28+$0xFFFFFFC0] =	vst v9;
	v7 =	vsel vm0, $0x3F800000, v0;
	vm0 =	vge.f32 v6, v1  }
0x11a: {  	v1 =	vld [tilespmem:s31+$0x0];
	[tilespmem:s28+$0xFFFFFFD0] =	vst v7;
	v6 =	vsel vm0, $0x3F800000, v0;
	vm0 =	vge.f32 v8, v2  }
0x11b: {  	v2 =	vld [tilespmem:s31+$0x10];
	[tilespmem:s28+$0xFFFFFFE0] =	vst v6;
	v6 =	vsel vm0, $0x3F800000, v0  }
0x11c: {  	v7 =	vld [tilespmem:s31+$0x20];
	[tilespmem:s28+$0xFFFFFFF0] =	vst v6  }
0x11d: {  	v6 =	vld [tilespmem:s31+$0xFFFFFFC0]  }
0x11e: {  	s29 =	sadd.s32 $0x100, s29;
	v8 =	vld.idx.msk [tilespmem:v12+s19+$0x0], $0xffff  }
0x11f: {  	v9 =	vld [tilespmem:s29+$0x30]  }
0x120: {  	v12 =	vld.idx.msk [tilespmem:v5+s19+$0x0], $0xffff  }
0x121: {  	v5 =	vld.idx.msk [tilespmem:v4+s19+$0x0], $0xffff  }
0x122: {  	v4 =	vld.idx.msk [tilespmem:v3+s19+$0x0], $0xffff  }
0x123: {  	v3 =	vld.idx.msk [tilespmem:v1+s19+$0x0], $0xffff  }
0x124: {  	v1 =	vld.idx.msk [tilespmem:v2+s19+$0x0], $0xffff;
	vm0 =	vge.f32 v9, v8  }
0x125: {  	s28 =	sadd.s32 $0x80, s28;
	v6 =	vld.idx.msk [tilespmem:v6+s19+$0x0], $0xffff;
	v8 =	vsel vm0, $0x3F800000, v0  }
0x126: {  	v2 =	vld.idx.msk [tilespmem:v7+s19+$0x0], $0xffff;
	[tilespmem:s28+$0x0] =	vst v8  }
0x127: {  	v8 =	vld [tilespmem:s29+$0xFFFFFFC0]  }
0x128: {  	v13 =	vld [tilespmem:s29+$0xFFFFFFD0]  }
.Ltmp11:
0x129: {  	v10 =	vld [tilespmem:s29+$0xFFFFFFE0];
	(pc) =	sbr.rel @p0 .LBB2_24-.Ltmp11, $4  }
0x12a: {  	v9 =	vld [tilespmem:s29+$0xFFFFFFF0]  }
0x12b: {  	v7 =	vld [tilespmem:s29+$0x0]  }
0x12c: {  	vm0 =	vge.f32 v8, v6;
	v6 =	vld [tilespmem:s29+$0x10]  }
0x12d: {  	s31 =	sadd.s32 $0x100, s31;
	v11 =	vsel vm0, $0x3F800000, v0;
	vm0 =	vge.f32 v13, v12;
	v8 =	vld [tilespmem:s29+$0x20]  }
0x12e: {  	[tilespmem:s28+$0xFFFFFF90] =	vst v11;
	v11 =	vsel vm0, $0x3F800000, v0;
	vm0 =	vge.f32 v10, v5  }
0x12f: {  	[tilespmem:s28+$0xFFFFFFA0] =	vst v11;
	v5 =	vsel vm0, $0x3F800000, v0;
	vm0 =	vge.f32 v9, v4  }
0x130: {  	[tilespmem:s28+$0xFFFFFFB0] =	vst v5;
	v4 =	vsel vm0, $0x3F800000, v0;
	vm0 =	vge.f32 v7, v3  }
0x131: {  	[tilespmem:s28+$0xFFFFFFC0] =	vst v4;
	v3 =	vsel vm0, $0x3F800000, v0;
	vm0 =	vge.f32 v6, v1  }
0x132: {  	[tilespmem:s28+$0xFFFFFFD0] =	vst v3;
	v1 =	vsel vm0, $0x3F800000, v0;
	vm0 =	vge.f32 v8, v2  }
0x133: {  	[tilespmem:s28+$0xFFFFFFE0] =	vst v1;
	v1 =	vsel vm0, $0x3F800000, v0  }
0x134: {  	[tilespmem:s28+$0xFFFFFFF0] =	vst v1  }
0x135: {  	[hbm4b:s14+s3] =	stream.linear.scatter [tilespmem:s23], [sflag:$0x4], $0x2000, $0x38;
	[tilespmem:$0x10800] =	vst v63  }
0x136: {  	_ =	swait.ge [sflag:s21], $0x2000  }
0x137: {  	[sflag:s21] =	ssyncset.done $0x0  }
0x138: {  	[sflag:s21] =	ssyncadd.s32 $0xFFFFE000  }
0x139: {  	_ =	swait.ge [sflag:s21], $0x2000  }
0x13a: {  	[sflag:s21] =	ssyncset.done $0x0  }
0x13b: {  	s28 =	simm.s32 $0x8F0;
	[sflag:s21] =	ssyncadd.s32 $0xFFFFE000  }
0x13c: {  	v1 =	vld [tilespmem:s28+$0x0]  }
0x13d: {  	v2 =	vld [tilespmem:s28+$0xFFFFFFA0]  }
0x13e: {  	v3 =	vld [tilespmem:s28+$0xFFFFFFB0]  }
0x13f: {  	v4 =	vld [tilespmem:s28+$0xFFFFFFC0]  }
0x140: {  	v6 =	vld [tilespmem:s28+$0xFFFFFFD0]  }
0x141: {  	v7 =	vld [tilespmem:s28+$0xFFFFFFE0]  }
0x142: {  	v8 =	vld [tilespmem:s28+$0xFFFFFFF0]  }
0x143: {  	s29 =	simm.s32 $0x48F0;
	v9 =	vld [tilespmem:s28+$0xFFFFFF90]  }
0x144: {  	v12 =	vld [tilespmem:s29+$0x0]  }
0x145: {  	v14 =	vld [tilespmem:s29+$0xFFFFFFA0]  }
0x146: {  	v10 =	vld [tilespmem:s29+$0xFFFFFFB0]  }
0x147: {  	v11 =	vld.idx.msk [tilespmem:v1+s19+$0x0], $0xffff  }
0x148: {  	v13 =	vld.idx.msk [tilespmem:v2+s19+$0x0], $0xffff  }
0x149: {  	v5 =	vld.idx.msk [tilespmem:v3+s19+$0x0], $0xffff  }
0x14a: {  	v3 =	vld.idx.msk [tilespmem:v6+s19+$0x0], $0xffff  }
0x14b: {  	v6 =	vld.idx.msk [tilespmem:v9+s19+$0x0], $0xffff  }
0x14c: {  	v2 =	vld.idx.msk [tilespmem:v8+s19+$0x0], $0xffff  }
0x14d: {  	v8 =	vld [tilespmem:s29+$0xFFFFFF90]  }
0x14e: {  	v4 =	vld.idx.msk [tilespmem:v4+s19+$0x0], $0xffff  }
0x14f: {  	v1 =	vld.idx.msk [tilespmem:v7+s19+$0x0], $0xffff  }
0x150: {  	v9 =	vld [tilespmem:s29+$0xFFFFFFC0]  }
0x151: {  	v7 =	vld [tilespmem:s29+$0xFFFFFFD0];
	vm0 =	vge.f32 v12, v11  }
0x152: {  	s28 =	simm.s32 $0xE870;
	v11 =	vsel vm0, $0x3F800000, v0;
	vm0 =	vge.f32 v8, v6;
	v6 =	vld [tilespmem:s29+$0xFFFFFFE0]  }
0x153: {  	s30 =	simm.s32 $0x0;
	s31 =	simm.s32 $0x9F0;
	v8 =	vld [tilespmem:s29+$0xFFFFFFF0];
	[tilespmem:s28+$0x0] =	vst v11;
	v11 =	vsel vm0, $0x3F800000, v0;
	vm0 =	vge.f32 v14, v13  }
.LBB2_26:
0x154: {  	v12 =	vld [tilespmem:s31+$0x0];
	s30 =	sadd.s32 $0x80, s30;
	[tilespmem:s28+$0xFFFFFF90] =	vst v11;
	v11 =	vsel vm0, $0x3F800000, v0;
	vm0 =	vge.f32 v10, v5  }
0x155: {  	v5 =	vld [tilespmem:s31+$0xFFFFFFA0];
	p0 =	slt.u32 s30, $0x1F80;
	[tilespmem:s28+$0xFFFFFFA0] =	vst v11;
	v10 =	vsel vm0, $0x3F800000, v0;
	vm0 =	vge.f32 v9, v4  }
0x156: {  	v4 =	vld [tilespmem:s31+$0xFFFFFFB0];
	[tilespmem:s28+$0xFFFFFFB0] =	vst v10;
	v9 =	vsel vm0, $0x3F800000, v0;
	vm0 =	vge.f32 v7, v3  }
0x157: {  	v3 =	vld [tilespmem:s31+$0xFFFFFFC0];
	[tilespmem:s28+$0xFFFFFFC0] =	vst v9;
	v7 =	vsel vm0, $0x3F800000, v0;
	vm0 =	vge.f32 v6, v1  }
0x158: {  	v1 =	vld [tilespmem:s31+$0xFFFFFFD0];
	[tilespmem:s28+$0xFFFFFFD0] =	vst v7;
	v6 =	vsel vm0, $0x3F800000, v0;
	vm0 =	vge.f32 v8, v2  }
0x159: {  	v2 =	vld [tilespmem:s31+$0xFFFFFFE0];
	[tilespmem:s28+$0xFFFFFFE0] =	vst v6;
	v6 =	vsel vm0, $0x3F800000, v0  }
0x15a: {  	v7 =	vld [tilespmem:s31+$0xFFFFFFF0];
	[tilespmem:s28+$0xFFFFFFF0] =	vst v6  }
0x15b: {  	v6 =	vld [tilespmem:s31+$0xFFFFFF90]  }
0x15c: {  	s29 =	sadd.s32 $0x100, s29;
	v8 =	vld.idx.msk [tilespmem:v12+s19+$0x0], $0xffff  }
0x15d: {  	v9 =	vld [tilespmem:s29+$0x0]  }
0x15e: {  	v12 =	vld.idx.msk [tilespmem:v5+s19+$0x0], $0xffff  }
0x15f: {  	v5 =	vld.idx.msk [tilespmem:v4+s19+$0x0], $0xffff  }
0x160: {  	v4 =	vld.idx.msk [tilespmem:v3+s19+$0x0], $0xffff  }
0x161: {  	v3 =	vld.idx.msk [tilespmem:v1+s19+$0x0], $0xffff  }
0x162: {  	v1 =	vld.idx.msk [tilespmem:v2+s19+$0x0], $0xffff;
	vm0 =	vge.f32 v9, v8  }
0x163: {  	s28 =	sadd.s32 $0x80, s28;
	v6 =	vld.idx.msk [tilespmem:v6+s19+$0x0], $0xffff;
	v8 =	vsel vm0, $0x3F800000, v0  }
0x164: {  	v2 =	vld.idx.msk [tilespmem:v7+s19+$0x0], $0xffff;
	[tilespmem:s28+$0x0] =	vst v8  }
0x165: {  	v8 =	vld [tilespmem:s29+$0xFFFFFF90]  }
0x166: {  	v13 =	vld [tilespmem:s29+$0xFFFFFFA0]  }
.Ltmp12:
0x167: {  	v10 =	vld [tilespmem:s29+$0xFFFFFFB0];
	(pc) =	sbr.rel @p0 .LBB2_26-.Ltmp12, $4  }
0x168: {  	v9 =	vld [tilespmem:s29+$0xFFFFFFC0]  }
0x169: {  	v7 =	vld [tilespmem:s29+$0xFFFFFFD0]  }
0x16a: {  	vm0 =	vge.f32 v8, v6;
	v6 =	vld [tilespmem:s29+$0xFFFFFFE0]  }
0x16b: {  	s31 =	sadd.s32 $0x100, s31;
	v11 =	vsel vm0, $0x3F800000, v0;
	vm0 =	vge.f32 v13, v12;
	v8 =	vld [tilespmem:s29+$0xFFFFFFF0]  }
0x16c: {  	[tilespmem:s28+$0xFFFFFF90] =	vst v11;
	v63 =	vsel vm0, $0x3F800000, v0;
	vm11 =	vge.f32 v10, v5  }
0x16d: {  	[tilespmem:s28+$0xFFFFFFA0] =	vst v63;
	v5 =	vsel vm11, $0x3F800000, v0;
	vm12 =	vge.f32 v9, v4  }
0x16e: {  	[tilespmem:s28+$0xFFFFFFB0] =	vst v5;
	v4 =	vsel vm12, $0x3F800000, v0;
	vm13 =	vge.f32 v7, v3  }
0x16f: {  	[tilespmem:s28+$0xFFFFFFC0] =	vst v4;
	v3 =	vsel vm13, $0x3F800000, v0;
	vm14 =	vge.f32 v6, v1  }
0x170: {  	[tilespmem:s28+$0xFFFFFFD0] =	vst v3;
	v1 =	vsel vm14, $0x3F800000, v0;
	vm15 =	vge.f32 v8, v2  }
0x171: {  	[tilespmem:s28+$0xFFFFFFE0] =	vst v1;
	v1 =	vsel vm15, $0x3F800000, v0  }
0x172: {  	[tilespmem:s28+$0xFFFFFFF0] =	vst v1  }
0x173: {  	[hbm4b:s15+s3] =	stream.linear.scatter [tilespmem:s24], [sflag:$0x4], $0x2000, $0x38;
	[tilespmem:$0x10800] =	vst v63  }
0x174: {  	_ =	swait.ge [sflag:s25], $0x2000  }
0x175: {  	[sflag:s25] =	ssyncset.done $0x0  }
0x176: {  	[sflag:s25] =	ssyncadd.s32 $0xFFFFE000  }
0x177: {  	_ =	swait.ge [sflag:s25], $0x2000  }
0x178: {  	[sflag:s25] =	ssyncset.done $0x0  }
0x179: {  	s26 =	sadd.s32 $0x1, s26;
	[sflag:s25] =	ssyncadd.s32 $0xFFFFE000  }
0x17a: {  	p0 =	sne.s32 s26, s16;
	_ =	swait.ge [sflag:s25], $0x2000  }
.Ltmp13:
0x17b: {  	[sflag:s25] =	ssyncset.done $0x0;
	(pc) =	sbr.rel @p0 .LBB2_1-.Ltmp13, $4  }
0x17c: {  	[sflag:s25] =	ssyncadd.s32 $0xFFFFE000  }
0x17d: {  	_ =	swait.ge [sflag:s25], $0x2000  }
0x17e: {  	[sflag:s25] =	ssyncset.done $0x0  }
0x17f: {  	[sflag:s25] =	ssyncadd.s32 $0xFFFFE000  }
0x180: {  	_ =	sfence.sel $0x180000  }
0x181: {  	[bflag:$0x0] =	sbarrier.arrive $0xFFFF  }
0x182: {  	p0 =	sne.s32 s2, $0x0;
	_ =	strace $0x90000047  }
0x183: {  	s0 =	sadd.s32 @!p0 $0x100000, s0;
	[bflag:$0x2] =	sbarrier.arrive $0xFFFF  }
0x184: {  	[sflag:s0] =	ssyncadd.tile.s32 @!p0 $0x1;
	_ =	shalt  }
.Lfunc_end2:
_tile_overlayer_lowered:
.L_overlay_start_2:
0x185: {  	(tag) =	ssettag $0x2  }
0x186: {  	s0 =	rddreg [dreg:$0x0];
	s2 =	stileid.u32  }
0x187: {  	s1 =	rddreg [dreg:$0x1];
	p0 =	sne.s32 s2, $0x0  }
0x188: {  	s3 =	rddreg [dreg:$0x2];
	[bflag:$0x3] =	sbarrier.arrive $0xFFFF;
	s2 =	simm.s32 @!p0 $0x1C05  }
0x189: {  	[timem:s3], [sflag:s2] =	dma.local @!p0 [hbm:s0], s1  }
0x18a: {  	s0 =	simm.s32 @!p0 $0x5  }
0x18b: {  	_ =	swait.ge @!p0 [sflag:s0], s1  }
0x18c: {  	s1 =	ssub.s32 @!p0 $0x0, s1;
	[sflag:s0] =	ssyncset.done @!p0 $0x0  }
0x18d: {  	[sflag:s0] =	ssyncadd.s32 @!p0 s1  }
0x18e: {  	[bflag:$0x3] =	sbarrier.arrive $0xFFFF  }
0x18f: {  	_ =	shalt  }

</sc_bundles>
